<compile_context>
chip_gen: v7x
topology: tpu7x:2x2x1
jax: 0.10.2.dev20260603
libtpu: 0.0.44.dev20260713+nightly
codegen_flags: <defaults>
</compile_context>

<pallas_src>
import functools

import jax
import jax.numpy as jnp
from jax import lax
from jax.experimental import pallas as pl
from jax.experimental.pallas import tpu as pltpu
from jax.experimental.pallas import tpu_sc as plsc

SEQ = 200
BATCH = 4096
DIM = 64
PDIM = 128

_info = plsc.get_sparse_core_info()
NC, NS = _info.num_cores, _info.num_subcores
NW = NC * NS

N = SEQ * BATCH
B_PER_W = N // NW
CHUNK = 256
NBUF = 5
N_CHUNKS = B_PER_W // CHUNK


def _gather_body(table_hbm, idx_hbm, out_hbm, idx_all, *scratch):
    rows_vs = scratch[0:NBUF]
    gsems = scratch[NBUF:2 * NBUF]
    osems = scratch[2 * NBUF:3 * NBUF]

    wid = lax.axis_index("s") * NC + lax.axis_index("c")
    base = wid * B_PER_W

    pltpu.sync_copy(idx_hbm.at[pl.ds(base, B_PER_W)], idx_all)

    def issue_gather(c, b):
        pltpu.async_copy(
            table_hbm.at[idx_all.at[pl.ds(c * CHUNK, CHUNK)]],
            rows_vs[b], gsems[b])

    def out_slice(c):
        off = base + c * CHUNK
        s = off // BATCH
        b0 = off % BATCH
        return out_hbm.at[s, pl.ds(b0, CHUNK), pl.ds(0, DIM)]

    for c in range(NBUF - 1):
        issue_gather(c, c)

    @pl.loop(0, N_CHUNKS, step=NBUF)
    def _(i):
        for b in range(NBUF):
            j = i + b
            jg = j + NBUF - 1
            bg = (b + NBUF - 1) % NBUF

            @pl.when(jg < N_CHUNKS)
            def _issue():
                if b == 0:
                    @pl.when(i > 0)
                    def _w():
                        pltpu.make_async_copy(
                            rows_vs[bg], out_slice(0), osems[bg]).wait()
                else:
                    pltpu.make_async_copy(
                        rows_vs[bg], out_slice(0), osems[bg]).wait()
                issue_gather(jg, bg)

            pltpu.make_async_copy(
                table_hbm.at[idx_all.at[pl.ds(0, CHUNK)]],
                rows_vs[b], gsems[b]).wait()
            pltpu.async_copy(rows_vs[b], out_slice(j), osems[b])

    for b in range(NBUF):
        pltpu.make_async_copy(rows_vs[b], out_slice(0), osems[b]).wait()


_sc_gather = functools.partial(
    pl.kernel,
    out_type=jax.ShapeDtypeStruct((SEQ, BATCH, PDIM), jnp.float32),
    mesh=plsc.VectorSubcoreMesh(core_axis_name="c", subcore_axis_name="s"),
    compiler_params=pltpu.CompilerParams(
        use_tc_tiling_on_sc=False, needs_layout_passes=False),
    scratch_types=(
        [pltpu.VMEM((B_PER_W,), jnp.int32)]
        + [pltpu.VMEM((CHUNK, DIM), jnp.float32) for _ in range(NBUF)]
        + [pltpu.SemaphoreType.DMA for _ in range(2 * NBUF)]
    ),
)(_gather_body)


def _mask_body(tok_ref, out_ref):
    out_ref[...] = (tok_ref[...] == 0).astype(jnp.float32)


_mask_call = pl.pallas_call(
    _mask_body,
    out_shape=jax.ShapeDtypeStruct((SEQ, BATCH), jnp.float32),
)


def kernel(tokens, table):
    tokens = tokens.astype(jnp.int32)
    idx_flat = tokens.reshape(N)
    emb = _sc_gather(table, idx_flat)
    word_emb = emb[..., :DIM].reshape(SEQ, BATCH, DIM)
    mask = _mask_call(tokens).T
    return (word_emb, mask)

# --- scband reference (transcript-rebuilt; emitter-appended) ---
"""Pipeline reference for scband-topic-encoder-1047972020581 (READ-ONLY COPY).

The authoritative reference and input builder live on the scoring server;
editing this copy changes nothing except your own understanding.
"""

import jax, jax.numpy as jnp
import numpy as np

PAD = 0
VOCAB = 1000000
DIM = 64
SEQ = 200
BATCH = 4096

def setup_inputs(seed: int = 0) -> dict:
    key = jax.random.key(seed)
    k_tok, k_tab = jax.random.split(key)
    tokens = jax.random.randint(k_tok, (SEQ, BATCH), 0, VOCAB, dtype=jnp.int64)
    table = jax.random.normal(k_tab, (VOCAB, DIM), dtype=jnp.float32) * 0.02
    # padding_idx row is zero in nn.Embedding
    table = table.at[PAD].set(0.0)
    return {"tokens": tokens, "table": table}

def reference(tokens, table):
    # mask = input[0].eq(PAD).float().transpose(0, 1).contiguous()
    mask = (tokens == PAD).astype(jnp.float32).T
    # wordEmb = self.word_lut(input[0])
    wordEmb = jnp.take(table, tokens, axis=0)
    return (wordEmb, mask)

if __name__ == "__main__":
    import jax
    _d = setup_inputs()
    print(jax.jit(kernel)(*tuple(_d.values())))

</pallas_src>

<mosaic_0001>
#map = affine_map<(d0, d1) -> (0, 0)>
#map1 = affine_map<(d0, d1) -> (0)>
#map2 = affine_map<(d0, d1) -> (0, 0, 0)>
module attributes {stable_mosaic.version = 14 : i64} {
  func.func @_gather_body(%arg0: i32, %arg1: i32, %arg2: memref<1000000x64xf32, #tpu.memory_space<hbm>>, %arg3: memref<819200xi32, #tpu.memory_space<hbm>>, %arg4: memref<200x4096x128xf32, #tpu.memory_space<hbm>>, %arg5: memref<25600xi32, #tpu.memory_space<vmem>>, %arg6: memref<256x64xf32, #tpu.memory_space<vmem>>, %arg7: memref<256x64xf32, #tpu.memory_space<vmem>>, %arg8: memref<256x64xf32, #tpu.memory_space<vmem>>, %arg9: memref<256x64xf32, #tpu.memory_space<vmem>>, %arg10: memref<256x64xf32, #tpu.memory_space<vmem>>, %arg11: memref<!tpu.dma_semaphore, #tpu.memory_space<semaphore_mem>>, %arg12: memref<!tpu.dma_semaphore, #tpu.memory_space<semaphore_mem>>, %arg13: memref<!tpu.dma_semaphore, #tpu.memory_space<semaphore_mem>>, %arg14: memref<!tpu.dma_semaphore, #tpu.memory_space<semaphore_mem>>, %arg15: memref<!tpu.dma_semaphore, #tpu.memory_space<semaphore_mem>>, %arg16: memref<!tpu.dma_semaphore, #tpu.memory_space<semaphore_mem>>, %arg17: memref<!tpu.dma_semaphore, #tpu.memory_space<semaphore_mem>>, %arg18: memref<!tpu.dma_semaphore, #tpu.memory_space<semaphore_mem>>, %arg19: memref<!tpu.dma_semaphore, #tpu.memory_space<semaphore_mem>>, %arg20: memref<!tpu.dma_semaphore, #tpu.memory_space<semaphore_mem>>) attributes {dimension_semantics = [#tpu.dimension_semantics<core_parallel>, #tpu.dimension_semantics<subcore_parallel>], iteration_bounds = array<i64: 2, 16>, scalar_prefetch = 0 : i64, scratch_operands = 16 : i64, tpu.core_type = #tpu.core_type<sc_vector_subcore>, window_params = [{transform_indices = #map}, {transform_indices = #map1}, {transform_indices = #map2}]} {
    %mul3A = arith.constant 2 : i32
    %mul3A_0 = arith.muli %arg1, %mul3A : i32
    %add3A = arith.addi %mul3A_0, %arg0 : i32
    %mul3A_1 = arith.constant 25600 : i32
    %mul3A_2 = arith.muli %add3A, %mul3A_1 : i32
    "tpu.region"() ({
      %run_scoped3A = tpu.sem_alloc : memref<!tpu.dma_semaphore, #tpu.memory_space<semaphore_mem>>
      %dma_start3A_255 = tpu.memref_slice %arg3[%mul3A_2] : memref<819200xi32, #tpu.memory_space<hbm>> -> memref<25600xi32, #tpu.memory_space<hbm>>
      %dma_start3A_256 = tpu.memref_slice %arg3[%mul3A_2] : memref<819200xi32, #tpu.memory_space<hbm>> -> memref<25600xi32, #tpu.memory_space<hbm>>
      tpu.enqueue_dma source(%dma_start3A_256 : memref<25600xi32, #tpu.memory_space<hbm>>) target(%arg5 : memref<25600xi32, #tpu.memory_space<vmem>>) target_semaphore(%run_scoped3A : memref<!tpu.dma_semaphore, #tpu.memory_space<semaphore_mem>>)
      %dma_wait3A_257 = tpu.memref_slice %arg3[%mul3A_2] : memref<819200xi32, #tpu.memory_space<hbm>> -> memref<25600xi32, #tpu.memory_space<hbm>>
      %dma_wait3A_258 = tpu.memref_slice %arg3[%mul3A_2] : memref<819200xi32, #tpu.memory_space<hbm>> -> memref<25600xi32, #tpu.memory_space<hbm>>
      tpu.wait_dma2 semaphore(%run_scoped3A : memref<!tpu.dma_semaphore, #tpu.memory_space<semaphore_mem>>) src(%dma_wait3A_258 : memref<25600xi32, #tpu.memory_space<hbm>>) dst(%arg5 : memref<25600xi32, #tpu.memory_space<vmem>>)
      tpu.yield
    }) : () -> ()
    %dma_start3A = arith.constant 0 : i32
    %dma_start3A_3 = tpu.memref_slice %arg5[%dma_start3A] : memref<25600xi32, #tpu.memory_space<vmem>> -> memref<256xi32, #tpu.memory_space<vmem>>
    %dma_start3A_4 = arith.constant 0 : i32
    %dma_start3A_5 = arith.constant 0 : i32
    %dma_start3A_6 = tpu.memref_slice %arg2[%dma_start3A_4, %dma_start3A_5] : memref<1000000x64xf32, #tpu.memory_space<hbm>> -> memref<1000000x64xf32, #tpu.memory_space<hbm>>
    tpu.enqueue_indirect_dma source(%dma_start3A_6 : memref<1000000x64xf32, #tpu.memory_space<hbm>>) target(%arg6 : memref<256x64xf32, #tpu.memory_space<vmem>>) offsets(%dma_start3A_3 : memref<256xi32, #tpu.memory_space<vmem>>) semaphore(%arg11 : memref<!tpu.dma_semaphore, #tpu.memory_space<semaphore_mem>>)
    %dma_start3A_7 = arith.constant 256 : i32
    %dma_start3A_8 = tpu.memref_slice %arg5[%dma_start3A_7] : memref<25600xi32, #tpu.memory_space<vmem>> -> memref<256xi32, #tpu.memory_space<vmem>>
    %dma_start3A_9 = arith.constant 0 : i32
    %dma_start3A_10 = arith.constant 0 : i32
    %dma_start3A_11 = tpu.memref_slice %arg2[%dma_start3A_9, %dma_start3A_10] : memref<1000000x64xf32, #tpu.memory_space<hbm>> -> memref<1000000x64xf32, #tpu.memory_space<hbm>>
    tpu.enqueue_indirect_dma source(%dma_start3A_11 : memref<1000000x64xf32, #tpu.memory_space<hbm>>) target(%arg7 : memref<256x64xf32, #tpu.memory_space<vmem>>) offsets(%dma_start3A_8 : memref<256xi32, #tpu.memory_space<vmem>>) semaphore(%arg12 : memref<!tpu.dma_semaphore, #tpu.memory_space<semaphore_mem>>)
    %dma_start3A_12 = arith.constant 512 : i32
    %dma_start3A_13 = tpu.memref_slice %arg5[%dma_start3A_12] : memref<25600xi32, #tpu.memory_space<vmem>> -> memref<256xi32, #tpu.memory_space<vmem>>
    %dma_start3A_14 = arith.constant 0 : i32
    %dma_start3A_15 = arith.constant 0 : i32
    %dma_start3A_16 = tpu.memref_slice %arg2[%dma_start3A_14, %dma_start3A_15] : memref<1000000x64xf32, #tpu.memory_space<hbm>> -> memref<1000000x64xf32, #tpu.memory_space<hbm>>
    tpu.enqueue_indirect_dma source(%dma_start3A_16 : memref<1000000x64xf32, #tpu.memory_space<hbm>>) target(%arg8 : memref<256x64xf32, #tpu.memory_space<vmem>>) offsets(%dma_start3A_13 : memref<256xi32, #tpu.memory_space<vmem>>) semaphore(%arg13 : memref<!tpu.dma_semaphore, #tpu.memory_space<semaphore_mem>>)
    %dma_start3A_17 = arith.constant 768 : i32
    %dma_start3A_18 = tpu.memref_slice %arg5[%dma_start3A_17] : memref<25600xi32, #tpu.memory_space<vmem>> -> memref<256xi32, #tpu.memory_space<vmem>>
    %dma_start3A_19 = arith.constant 0 : i32
    %dma_start3A_20 = arith.constant 0 : i32
    %dma_start3A_21 = tpu.memref_slice %arg2[%dma_start3A_19, %dma_start3A_20] : memref<1000000x64xf32, #tpu.memory_space<hbm>> -> memref<1000000x64xf32, #tpu.memory_space<hbm>>
    tpu.enqueue_indirect_dma source(%dma_start3A_21 : memref<1000000x64xf32, #tpu.memory_space<hbm>>) target(%arg9 : memref<256x64xf32, #tpu.memory_space<vmem>>) offsets(%dma_start3A_18 : memref<256xi32, #tpu.memory_space<vmem>>) semaphore(%arg14 : memref<!tpu.dma_semaphore, #tpu.memory_space<semaphore_mem>>)
    %scan3A = arith.constant 0 : i32
    %scan3A_22 = arith.constant 20 : i32
    %scan3A_23 = arith.addi %scan3A, %scan3A_22 : i32
    %scan3A_24 = arith.constant 1 : i32
    scf.for %scan3A_255 = %scan3A to %scan3A_23 step %scan3A_24  : i32 {
      %mul3A_256 = arith.constant 5 : i32
      %mul3A_257 = arith.muli %scan3A_255, %mul3A_256 : i32
      %add3A_258 = arith.constant 0 : i32
      %add3A_259 = arith.addi %add3A_258, %mul3A_257 : i32
      %add3A_260 = arith.constant 0 : i32
      %add3A_261 = arith.addi %add3A_259, %add3A_260 : i32
      %add3A_262 = arith.constant 5 : i32
      %add3A_263 = arith.addi %add3A_261, %add3A_262 : i32
      %sub3A_264 = arith.constant 1 : i32
      %sub3A_265 = arith.subi %add3A_263, %sub3A_264 : i32
      %lt3A_266 = arith.constant 100 : i32
      %lt3A_267 = arith.cmpi slt, %sub3A_265, %lt3A_266 : i32
      %convert_element_type3A = arith.extui %lt3A_267 : i1 to i32
      %cond3A = arith.constant 0 : i32
      %cond3A_268 = arith.cmpi ne, %convert_element_type3A, %cond3A : i32
      scf.if %cond3A_268 {
        %gt3A = arith.constant 0 : i32
        %gt3A_583 = arith.cmpi sgt, %add3A_259, %gt3A : i32
        %convert_element_type3A_584 = arith.extui %gt3A_583 : i1 to i32
        %cond3A_585 = arith.constant 0 : i32
        %cond3A_586 = arith.cmpi ne, %convert_element_type3A_584, %cond3A_585 : i32
        scf.if %cond3A_586 {
          %add3A_593 = arith.constant 0 : i32
          %add3A_594 = arith.addi %mul3A_2, %add3A_593 : i32
          %jit3A_595 = arith.constant 4096 : i32
          %div3A_596 = arith.divsi %add3A_594, %jit3A_595 : i32
          %sign3A_597 = arith.constant 0 : i32
          %sign3A_598 = arith.cmpi sgt, %add3A_594, %sign3A_597 : i32
          %sign3A_599 = arith.extui %sign3A_598 : i1 to i32
          %sign3A_600 = arith.constant 0 : i32
          %sign3A_601 = arith.cmpi slt, %add3A_594, %sign3A_600 : i32
          %sign3A_602 = arith.extui %sign3A_601 : i1 to i32
          %sign3A_603 = arith.subi %sign3A_599, %sign3A_602 : i32
          %sign3A_604 = arith.constant 0 : i32
          %sign3A_605 = arith.cmpi sgt, %jit3A_595, %sign3A_604 : i32
          %sign3A_606 = arith.extui %sign3A_605 : i1 to i32
          %sign3A_607 = arith.constant 0 : i32
          %sign3A_608 = arith.cmpi slt, %jit3A_595, %sign3A_607 : i32
          %sign3A_609 = arith.extui %sign3A_608 : i1 to i32
          %sign3A_610 = arith.subi %sign3A_606, %sign3A_609 : i32
          %ne3A_611 = arith.cmpi ne, %sign3A_603, %sign3A_610 : i32
          %rem3A_612 = arith.remsi %add3A_594, %jit3A_595 : i32
          %ne3A_613 = arith.constant 0 : i32
          %ne3A_614 = arith.cmpi ne, %rem3A_612, %ne3A_613 : i32
          %and3A_615 = arith.andi %ne3A_611, %ne3A_614 : i1
          %sub3A_616 = arith.constant 1 : i32
          %sub3A_617 = arith.subi %div3A_596, %sub3A_616 : i32
          %select_n3A_618 = arith.select %and3A_615, %sub3A_617, %div3A_596 : i32
          %jit3A_619 = arith.constant 4096 : i32
          %eq3A_620 = arith.constant 0 : i32
          %eq3A_621 = arith.cmpi eq, %jit3A_619, %eq3A_620 : i32
          %jit3A_622 = arith.constant 1 : i32
          %select_n3A_623 = arith.select %eq3A_621, %jit3A_622, %jit3A_619 : i32
          %rem3A_624 = arith.remsi %add3A_594, %select_n3A_623 : i32
          %ne3A_625 = arith.constant 0 : i32
          %ne3A_626 = arith.cmpi ne, %rem3A_624, %ne3A_625 : i32
          %lt3A_627 = arith.constant 0 : i32
          %lt3A_628 = arith.cmpi slt, %rem3A_624, %lt3A_627 : i32
          %lt3A_629 = arith.constant 0 : i32
          %lt3A_630 = arith.cmpi slt, %select_n3A_623, %lt3A_629 : i32
          %ne3A_631 = arith.xori %lt3A_628, %lt3A_630 : i1
          %and3A_632 = arith.andi %ne3A_631, %ne3A_626 : i1
          %add3A_633 = arith.addi %rem3A_624, %select_n3A_623 : i32
          %select_n3A_634 = arith.select %and3A_632, %add3A_633, %rem3A_624 : i32
          %dma_wait3A_635 = arith.constant 0 : i32
          %dma_wait3A_636 = tpu.memref_slice %arg4[%select_n3A_618, %select_n3A_634, %dma_wait3A_635] : memref<200x4096x128xf32, #tpu.memory_space<hbm>> -> memref<1x256x64xf32, #tpu.memory_space<hbm>>
          %dma_wait3A_637 = tpu.memref_squeeze %dma_wait3A_636 : memref<1x256x64xf32, #tpu.memory_space<hbm>> -> memref<256x64xf32, #tpu.memory_space<hbm>>
          %dma_wait3A_638 = arith.constant 0 : i32
          %dma_wait3A_639 = tpu.memref_slice %arg4[%select_n3A_618, %select_n3A_634, %dma_wait3A_638] : memref<200x4096x128xf32, #tpu.memory_space<hbm>> -> memref<1x256x64xf32, #tpu.memory_space<hbm>>
          %dma_wait3A_640 = tpu.memref_squeeze %dma_wait3A_639 : memref<1x256x64xf32, #tpu.memory_space<hbm>> -> memref<256x64xf32, #tpu.memory_space<hbm>>
          tpu.wait_dma2 semaphore(%arg20 : memref<!tpu.dma_semaphore, #tpu.memory_space<semaphore_mem>>) src(%arg10 : memref<256x64xf32, #tpu.memory_space<vmem>>) dst(%dma_wait3A_640 : memref<256x64xf32, #tpu.memory_space<hbm>>)
        } else {
        }
        %mul3A_587 = arith.constant 256 : i32
        %mul3A_588 = arith.muli %sub3A_265, %mul3A_587 : i32
        %dma_start3A_589 = tpu.memref_slice %arg5[%mul3A_588] : memref<25600xi32, #tpu.memory_space<vmem>> -> memref<256xi32, #tpu.memory_space<vmem>>
        %dma_start3A_590 = arith.constant 0 : i32
        %dma_start3A_591 = arith.constant 0 : i32
        %dma_start3A_592 = tpu.memref_slice %arg2[%dma_start3A_590, %dma_start3A_591] : memref<1000000x64xf32, #tpu.memory_space<hbm>> -> memref<1000000x64xf32, #tpu.memory_space<hbm>>
        tpu.enqueue_indirect_dma source(%dma_start3A_592 : memref<1000000x64xf32, #tpu.memory_space<hbm>>) target(%arg10 : memref<256x64xf32, #tpu.memory_space<vmem>>) offsets(%dma_start3A_589 : memref<256xi32, #tpu.memory_space<vmem>>) semaphore(%arg15 : memref<!tpu.dma_semaphore, #tpu.memory_space<semaphore_mem>>)
      } else {
      }
      %dma_wait3A_269 = arith.constant 0 : i32
      %dma_wait3A_270 = tpu.memref_slice %arg5[%dma_wait3A_269] : memref<25600xi32, #tpu.memory_space<vmem>> -> memref<256xi32, #tpu.memory_space<vmem>>
      %dma_wait3A_271 = arith.constant 0 : i32
      %dma_wait3A_272 = arith.constant 0 : i32
      %dma_wait3A_273 = tpu.memref_slice %arg2[%dma_wait3A_271, %dma_wait3A_272] : memref<1000000x64xf32, #tpu.memory_space<hbm>> -> memref<1000000x64xf32, #tpu.memory_space<hbm>>
      tpu.wait_indirect_dma semaphore(%arg11 : memref<!tpu.dma_semaphore, #tpu.memory_space<semaphore_mem>>) src(%dma_wait3A_273 : memref<1000000x64xf32, #tpu.memory_space<hbm>>) dst(%arg6 : memref<256x64xf32, #tpu.memory_space<vmem>>)
      %mul3A_274 = arith.constant 256 : i32
      %mul3A_275 = arith.muli %add3A_261, %mul3A_274 : i32
      %add3A_276 = arith.addi %mul3A_2, %mul3A_275 : i32
      %jit3A_277 = arith.constant 4096 : i32
      %div3A_278 = arith.divsi %add3A_276, %jit3A_277 : i32
      %sign3A_279 = arith.constant 0 : i32
      %sign3A_280 = arith.cmpi sgt, %add3A_276, %sign3A_279 : i32
      %sign3A_281 = arith.extui %sign3A_280 : i1 to i32
      %sign3A_282 = arith.constant 0 : i32
      %sign3A_283 = arith.cmpi slt, %add3A_276, %sign3A_282 : i32
      %sign3A_284 = arith.extui %sign3A_283 : i1 to i32
      %sign3A_285 = arith.subi %sign3A_281, %sign3A_284 : i32
      %sign3A_286 = arith.constant 0 : i32
      %sign3A_287 = arith.cmpi sgt, %jit3A_277, %sign3A_286 : i32
      %sign3A_288 = arith.extui %sign3A_287 : i1 to i32
      %sign3A_289 = arith.constant 0 : i32
      %sign3A_290 = arith.cmpi slt, %jit3A_277, %sign3A_289 : i32
      %sign3A_291 = arith.extui %sign3A_290 : i1 to i32
      %sign3A_292 = arith.subi %sign3A_288, %sign3A_291 : i32
      %ne3A_293 = arith.cmpi ne, %sign3A_285, %sign3A_292 : i32
      %rem3A_294 = arith.remsi %add3A_276, %jit3A_277 : i32
      %ne3A_295 = arith.constant 0 : i32
      %ne3A_296 = arith.cmpi ne, %rem3A_294, %ne3A_295 : i32
      %and3A_297 = arith.andi %ne3A_293, %ne3A_296 : i1
      %sub3A_298 = arith.constant 1 : i32
      %sub3A_299 = arith.subi %div3A_278, %sub3A_298 : i32
      %select_n3A_300 = arith.select %and3A_297, %sub3A_299, %div3A_278 : i32
      %jit3A_301 = arith.constant 4096 : i32
      %eq3A_302 = arith.constant 0 : i32
      %eq3A_303 = arith.cmpi eq, %jit3A_301, %eq3A_302 : i32
      %jit3A_304 = arith.constant 1 : i32
      %select_n3A_305 = arith.select %eq3A_303, %jit3A_304, %jit3A_301 : i32
      %rem3A_306 = arith.remsi %add3A_276, %select_n3A_305 : i32
      %ne3A_307 = arith.constant 0 : i32
      %ne3A_308 = arith.cmpi ne, %rem3A_306, %ne3A_307 : i32
      %lt3A_309 = arith.constant 0 : i32
      %lt3A_310 = arith.cmpi slt, %rem3A_306, %lt3A_309 : i32
      %lt3A_311 = arith.constant 0 : i32
      %lt3A_312 = arith.cmpi slt, %select_n3A_305, %lt3A_311 : i32
      %ne3A_313 = arith.xori %lt3A_310, %lt3A_312 : i1
      %and3A_314 = arith.andi %ne3A_313, %ne3A_308 : i1
      %add3A_315 = arith.addi %rem3A_306, %select_n3A_305 : i32
      %select_n3A_316 = arith.select %and3A_314, %add3A_315, %rem3A_306 : i32
      %dma_start3A_317 = arith.constant 0 : i32
      %dma_start3A_318 = tpu.memref_slice %arg4[%select_n3A_300, %select_n3A_316, %dma_start3A_317] : memref<200x4096x128xf32, #tpu.memory_space<hbm>> -> memref<1x256x64xf32, #tpu.memory_space<hbm>>
      %dma_start3A_319 = tpu.memref_squeeze %dma_start3A_318 : memref<1x256x64xf32, #tpu.memory_space<hbm>> -> memref<256x64xf32, #tpu.memory_space<hbm>>
      %dma_start3A_320 = arith.constant 0 : i32
      %dma_start3A_321 = tpu.memref_slice %arg4[%select_n3A_300, %select_n3A_316, %dma_start3A_320] : memref<200x4096x128xf32, #tpu.memory_space<hbm>> -> memref<1x256x64xf32, #tpu.memory_space<hbm>>
      %dma_start3A_322 = tpu.memref_squeeze %dma_start3A_321 : memref<1x256x64xf32, #tpu.memory_space<hbm>> -> memref<256x64xf32, #tpu.memory_space<hbm>>
      tpu.enqueue_dma source(%arg6 : memref<256x64xf32, #tpu.memory_space<vmem>>) target(%dma_start3A_322 : memref<256x64xf32, #tpu.memory_space<hbm>>) target_semaphore(%arg16 : memref<!tpu.dma_semaphore, #tpu.memory_space<semaphore_mem>>)
      %add3A_323 = arith.constant 1 : i32
      %add3A_324 = arith.addi %add3A_259, %add3A_323 : i32
      %add3A_325 = arith.constant 5 : i32
      %add3A_326 = arith.addi %add3A_324, %add3A_325 : i32
      %sub3A_327 = arith.constant 1 : i32
      %sub3A_328 = arith.subi %add3A_326, %sub3A_327 : i32
      %lt3A_329 = arith.constant 100 : i32
      %lt3A_330 = arith.cmpi slt, %sub3A_328, %lt3A_329 : i32
      %convert_element_type3A_331 = arith.extui %lt3A_330 : i1 to i32
      %cond3A_332 = arith.constant 0 : i32
      %cond3A_333 = arith.cmpi ne, %convert_element_type3A_331, %cond3A_332 : i32
      scf.if %cond3A_333 {
        %add3A_583 = arith.constant 0 : i32
        %add3A_584 = arith.addi %mul3A_2, %add3A_583 : i32
        %jit3A_585 = arith.constant 4096 : i32
        %div3A_586 = arith.divsi %add3A_584, %jit3A_585 : i32
        %sign3A_587 = arith.constant 0 : i32
        %sign3A_588 = arith.cmpi sgt, %add3A_584, %sign3A_587 : i32
        %sign3A_589 = arith.extui %sign3A_588 : i1 to i32
        %sign3A_590 = arith.constant 0 : i32
        %sign3A_591 = arith.cmpi slt, %add3A_584, %sign3A_590 : i32
        %sign3A_592 = arith.extui %sign3A_591 : i1 to i32
        %sign3A_593 = arith.subi %sign3A_589, %sign3A_592 : i32
        %sign3A_594 = arith.constant 0 : i32
        %sign3A_595 = arith.cmpi sgt, %jit3A_585, %sign3A_594 : i32
        %sign3A_596 = arith.extui %sign3A_595 : i1 to i32
        %sign3A_597 = arith.constant 0 : i32
        %sign3A_598 = arith.cmpi slt, %jit3A_585, %sign3A_597 : i32
        %sign3A_599 = arith.extui %sign3A_598 : i1 to i32
        %sign3A_600 = arith.subi %sign3A_596, %sign3A_599 : i32
        %ne3A_601 = arith.cmpi ne, %sign3A_593, %sign3A_600 : i32
        %rem3A_602 = arith.remsi %add3A_584, %jit3A_585 : i32
        %ne3A_603 = arith.constant 0 : i32
        %ne3A_604 = arith.cmpi ne, %rem3A_602, %ne3A_603 : i32
        %and3A_605 = arith.andi %ne3A_601, %ne3A_604 : i1
        %sub3A_606 = arith.constant 1 : i32
        %sub3A_607 = arith.subi %div3A_586, %sub3A_606 : i32
        %select_n3A_608 = arith.select %and3A_605, %sub3A_607, %div3A_586 : i32
        %jit3A_609 = arith.constant 4096 : i32
        %eq3A_610 = arith.constant 0 : i32
        %eq3A_611 = arith.cmpi eq, %jit3A_609, %eq3A_610 : i32
        %jit3A_612 = arith.constant 1 : i32
        %select_n3A_613 = arith.select %eq3A_611, %jit3A_612, %jit3A_609 : i32
        %rem3A_614 = arith.remsi %add3A_584, %select_n3A_613 : i32
        %ne3A_615 = arith.constant 0 : i32
        %ne3A_616 = arith.cmpi ne, %rem3A_614, %ne3A_615 : i32
        %lt3A_617 = arith.constant 0 : i32
        %lt3A_618 = arith.cmpi slt, %rem3A_614, %lt3A_617 : i32
        %lt3A_619 = arith.constant 0 : i32
        %lt3A_620 = arith.cmpi slt, %select_n3A_613, %lt3A_619 : i32
        %ne3A_621 = arith.xori %lt3A_618, %lt3A_620 : i1
        %and3A_622 = arith.andi %ne3A_621, %ne3A_616 : i1
        %add3A_623 = arith.addi %rem3A_614, %select_n3A_613 : i32
        %select_n3A_624 = arith.select %and3A_622, %add3A_623, %rem3A_614 : i32
        %dma_wait3A_625 = arith.constant 0 : i32
        %dma_wait3A_626 = tpu.memref_slice %arg4[%select_n3A_608, %select_n3A_624, %dma_wait3A_625] : memref<200x4096x128xf32, #tpu.memory_space<hbm>> -> memref<1x256x64xf32, #tpu.memory_space<hbm>>
        %dma_wait3A_627 = tpu.memref_squeeze %dma_wait3A_626 : memref<1x256x64xf32, #tpu.memory_space<hbm>> -> memref<256x64xf32, #tpu.memory_space<hbm>>
        %dma_wait3A_628 = arith.constant 0 : i32
        %dma_wait3A_629 = tpu.memref_slice %arg4[%select_n3A_608, %select_n3A_624, %dma_wait3A_628] : memref<200x4096x128xf32, #tpu.memory_space<hbm>> -> memref<1x256x64xf32, #tpu.memory_space<hbm>>
        %dma_wait3A_630 = tpu.memref_squeeze %dma_wait3A_629 : memref<1x256x64xf32, #tpu.memory_space<hbm>> -> memref<256x64xf32, #tpu.memory_space<hbm>>
        tpu.wait_dma2 semaphore(%arg16 : memref<!tpu.dma_semaphore, #tpu.memory_space<semaphore_mem>>) src(%arg6 : memref<256x64xf32, #tpu.memory_space<vmem>>) dst(%dma_wait3A_630 : memref<256x64xf32, #tpu.memory_space<hbm>>)
        %mul3A_631 = arith.constant 256 : i32
        %mul3A_632 = arith.muli %sub3A_328, %mul3A_631 : i32
        %dma_start3A_633 = tpu.memref_slice %arg5[%mul3A_632] : memref<25600xi32, #tpu.memory_space<vmem>> -> memref<256xi32, #tpu.memory_space<vmem>>
        %dma_start3A_634 = arith.constant 0 : i32
        %dma_start3A_635 = arith.constant 0 : i32
        %dma_start3A_636 = tpu.memref_slice %arg2[%dma_start3A_634, %dma_start3A_635] : memref<1000000x64xf32, #tpu.memory_space<hbm>> -> memref<1000000x64xf32, #tpu.memory_space<hbm>>
        tpu.enqueue_indirect_dma source(%dma_start3A_636 : memref<1000000x64xf32, #tpu.memory_space<hbm>>) target(%arg6 : memref<256x64xf32, #tpu.memory_space<vmem>>) offsets(%dma_start3A_633 : memref<256xi32, #tpu.memory_space<vmem>>) semaphore(%arg11 : memref<!tpu.dma_semaphore, #tpu.memory_space<semaphore_mem>>)
      } else {
      }
      %dma_wait3A_334 = arith.constant 0 : i32
      %dma_wait3A_335 = tpu.memref_slice %arg5[%dma_wait3A_334] : memref<25600xi32, #tpu.memory_space<vmem>> -> memref<256xi32, #tpu.memory_space<vmem>>
      %dma_wait3A_336 = arith.constant 0 : i32
      %dma_wait3A_337 = arith.constant 0 : i32
      %dma_wait3A_338 = tpu.memref_slice %arg2[%dma_wait3A_336, %dma_wait3A_337] : memref<1000000x64xf32, #tpu.memory_space<hbm>> -> memref<1000000x64xf32, #tpu.memory_space<hbm>>
      tpu.wait_indirect_dma semaphore(%arg12 : memref<!tpu.dma_semaphore, #tpu.memory_space<semaphore_mem>>) src(%dma_wait3A_338 : memref<1000000x64xf32, #tpu.memory_space<hbm>>) dst(%arg7 : memref<256x64xf32, #tpu.memory_space<vmem>>)
      %mul3A_339 = arith.constant 256 : i32
      %mul3A_340 = arith.muli %add3A_324, %mul3A_339 : i32
      %add3A_341 = arith.addi %mul3A_2, %mul3A_340 : i32
      %jit3A_342 = arith.constant 4096 : i32
      %div3A_343 = arith.divsi %add3A_341, %jit3A_342 : i32
      %sign3A_344 = arith.constant 0 : i32
      %sign3A_345 = arith.cmpi sgt, %add3A_341, %sign3A_344 : i32
      %sign3A_346 = arith.extui %sign3A_345 : i1 to i32
      %sign3A_347 = arith.constant 0 : i32
      %sign3A_348 = arith.cmpi slt, %add3A_341, %sign3A_347 : i32
      %sign3A_349 = arith.extui %sign3A_348 : i1 to i32
      %sign3A_350 = arith.subi %sign3A_346, %sign3A_349 : i32
      %sign3A_351 = arith.constant 0 : i32
      %sign3A_352 = arith.cmpi sgt, %jit3A_342, %sign3A_351 : i32
      %sign3A_353 = arith.extui %sign3A_352 : i1 to i32
      %sign3A_354 = arith.constant 0 : i32
      %sign3A_355 = arith.cmpi slt, %jit3A_342, %sign3A_354 : i32
      %sign3A_356 = arith.extui %sign3A_355 : i1 to i32
      %sign3A_357 = arith.subi %sign3A_353, %sign3A_356 : i32
      %ne3A_358 = arith.cmpi ne, %sign3A_350, %sign3A_357 : i32
      %rem3A_359 = arith.remsi %add3A_341, %jit3A_342 : i32
      %ne3A_360 = arith.constant 0 : i32
      %ne3A_361 = arith.cmpi ne, %rem3A_359, %ne3A_360 : i32
      %and3A_362 = arith.andi %ne3A_358, %ne3A_361 : i1
      %sub3A_363 = arith.constant 1 : i32
      %sub3A_364 = arith.subi %div3A_343, %sub3A_363 : i32
      %select_n3A_365 = arith.select %and3A_362, %sub3A_364, %div3A_343 : i32
      %jit3A_366 = arith.constant 4096 : i32
      %eq3A_367 = arith.constant 0 : i32
      %eq3A_368 = arith.cmpi eq, %jit3A_366, %eq3A_367 : i32
      %jit3A_369 = arith.constant 1 : i32
      %select_n3A_370 = arith.select %eq3A_368, %jit3A_369, %jit3A_366 : i32
      %rem3A_371 = arith.remsi %add3A_341, %select_n3A_370 : i32
      %ne3A_372 = arith.constant 0 : i32
      %ne3A_373 = arith.cmpi ne, %rem3A_371, %ne3A_372 : i32
      %lt3A_374 = arith.constant 0 : i32
      %lt3A_375 = arith.cmpi slt, %rem3A_371, %lt3A_374 : i32
      %lt3A_376 = arith.constant 0 : i32
      %lt3A_377 = arith.cmpi slt, %select_n3A_370, %lt3A_376 : i32
      %ne3A_378 = arith.xori %lt3A_375, %lt3A_377 : i1
      %and3A_379 = arith.andi %ne3A_378, %ne3A_373 : i1
      %add3A_380 = arith.addi %rem3A_371, %select_n3A_370 : i32
      %select_n3A_381 = arith.select %and3A_379, %add3A_380, %rem3A_371 : i32
      %dma_start3A_382 = arith.constant 0 : i32
      %dma_start3A_383 = tpu.memref_slice %arg4[%select_n3A_365, %select_n3A_381, %dma_start3A_382] : memref<200x4096x128xf32, #tpu.memory_space<hbm>> -> memref<1x256x64xf32, #tpu.memory_space<hbm>>
      %dma_start3A_384 = tpu.memref_squeeze %dma_start3A_383 : memref<1x256x64xf32, #tpu.memory_space<hbm>> -> memref<256x64xf32, #tpu.memory_space<hbm>>
      %dma_start3A_385 = arith.constant 0 : i32
      %dma_start3A_386 = tpu.memref_slice %arg4[%select_n3A_365, %select_n3A_381, %dma_start3A_385] : memref<200x4096x128xf32, #tpu.memory_space<hbm>> -> memref<1x256x64xf32, #tpu.memory_space<hbm>>
      %dma_start3A_387 = tpu.memref_squeeze %dma_start3A_386 : memref<1x256x64xf32, #tpu.memory_space<hbm>> -> memref<256x64xf32, #tpu.memory_space<hbm>>
      tpu.enqueue_dma source(%arg7 : memref<256x64xf32, #tpu.memory_space<vmem>>) target(%dma_start3A_387 : memref<256x64xf32, #tpu.memory_space<hbm>>) target_semaphore(%arg17 : memref<!tpu.dma_semaphore, #tpu.memory_space<semaphore_mem>>)
      %add3A_388 = arith.constant 2 : i32
      %add3A_389 = arith.addi %add3A_259, %add3A_388 : i32
      %add3A_390 = arith.constant 5 : i32
      %add3A_391 = arith.addi %add3A_389, %add3A_390 : i32
      %sub3A_392 = arith.constant 1 : i32
      %sub3A_393 = arith.subi %add3A_391, %sub3A_392 : i32
      %lt3A_394 = arith.constant 100 : i32
      %lt3A_395 = arith.cmpi slt, %sub3A_393, %lt3A_394 : i32
      %convert_element_type3A_396 = arith.extui %lt3A_395 : i1 to i32
      %cond3A_397 = arith.constant 0 : i32
      %cond3A_398 = arith.cmpi ne, %convert_element_type3A_396, %cond3A_397 : i32
      scf.if %cond3A_398 {
        %add3A_583 = arith.constant 0 : i32
        %add3A_584 = arith.addi %mul3A_2, %add3A_583 : i32
        %jit3A_585 = arith.constant 4096 : i32
        %div3A_586 = arith.divsi %add3A_584, %jit3A_585 : i32
        %sign3A_587 = arith.constant 0 : i32
        %sign3A_588 = arith.cmpi sgt, %add3A_584, %sign3A_587 : i32
        %sign3A_589 = arith.extui %sign3A_588 : i1 to i32
        %sign3A_590 = arith.constant 0 : i32
        %sign3A_591 = arith.cmpi slt, %add3A_584, %sign3A_590 : i32
        %sign3A_592 = arith.extui %sign3A_591 : i1 to i32
        %sign3A_593 = arith.subi %sign3A_589, %sign3A_592 : i32
        %sign3A_594 = arith.constant 0 : i32
        %sign3A_595 = arith.cmpi sgt, %jit3A_585, %sign3A_594 : i32
        %sign3A_596 = arith.extui %sign3A_595 : i1 to i32
        %sign3A_597 = arith.constant 0 : i32
        %sign3A_598 = arith.cmpi slt, %jit3A_585, %sign3A_597 : i32
        %sign3A_599 = arith.extui %sign3A_598 : i1 to i32
        %sign3A_600 = arith.subi %sign3A_596, %sign3A_599 : i32
        %ne3A_601 = arith.cmpi ne, %sign3A_593, %sign3A_600 : i32
        %rem3A_602 = arith.remsi %add3A_584, %jit3A_585 : i32
        %ne3A_603 = arith.constant 0 : i32
        %ne3A_604 = arith.cmpi ne, %rem3A_602, %ne3A_603 : i32
        %and3A_605 = arith.andi %ne3A_601, %ne3A_604 : i1
        %sub3A_606 = arith.constant 1 : i32
        %sub3A_607 = arith.subi %div3A_586, %sub3A_606 : i32
        %select_n3A_608 = arith.select %and3A_605, %sub3A_607, %div3A_586 : i32
        %jit3A_609 = arith.constant 4096 : i32
        %eq3A_610 = arith.constant 0 : i32
        %eq3A_611 = arith.cmpi eq, %jit3A_609, %eq3A_610 : i32
        %jit3A_612 = arith.constant 1 : i32
        %select_n3A_613 = arith.select %eq3A_611, %jit3A_612, %jit3A_609 : i32
        %rem3A_614 = arith.remsi %add3A_584, %select_n3A_613 : i32
        %ne3A_615 = arith.constant 0 : i32
        %ne3A_616 = arith.cmpi ne, %rem3A_614, %ne3A_615 : i32
        %lt3A_617 = arith.constant 0 : i32
        %lt3A_618 = arith.cmpi slt, %rem3A_614, %lt3A_617 : i32
        %lt3A_619 = arith.constant 0 : i32
        %lt3A_620 = arith.cmpi slt, %select_n3A_613, %lt3A_619 : i32
        %ne3A_621 = arith.xori %lt3A_618, %lt3A_620 : i1
        %and3A_622 = arith.andi %ne3A_621, %ne3A_616 : i1
        %add3A_623 = arith.addi %rem3A_614, %select_n3A_613 : i32
        %select_n3A_624 = arith.select %and3A_622, %add3A_623, %rem3A_614 : i32
        %dma_wait3A_625 = arith.constant 0 : i32
        %dma_wait3A_626 = tpu.memref_slice %arg4[%select_n3A_608, %select_n3A_624, %dma_wait3A_625] : memref<200x4096x128xf32, #tpu.memory_space<hbm>> -> memref<1x256x64xf32, #tpu.memory_space<hbm>>
        %dma_wait3A_627 = tpu.memref_squeeze %dma_wait3A_626 : memref<1x256x64xf32, #tpu.memory_space<hbm>> -> memref<256x64xf32, #tpu.memory_space<hbm>>
        %dma_wait3A_628 = arith.constant 0 : i32
        %dma_wait3A_629 = tpu.memref_slice %arg4[%select_n3A_608, %select_n3A_624, %dma_wait3A_628] : memref<200x4096x128xf32, #tpu.memory_space<hbm>> -> memref<1x256x64xf32, #tpu.memory_space<hbm>>
        %dma_wait3A_630 = tpu.memref_squeeze %dma_wait3A_629 : memref<1x256x64xf32, #tpu.memory_space<hbm>> -> memref<256x64xf32, #tpu.memory_space<hbm>>
        tpu.wait_dma2 semaphore(%arg17 : memref<!tpu.dma_semaphore, #tpu.memory_space<semaphore_mem>>) src(%arg7 : memref<256x64xf32, #tpu.memory_space<vmem>>) dst(%dma_wait3A_630 : memref<256x64xf32, #tpu.memory_space<hbm>>)
        %mul3A_631 = arith.constant 256 : i32
        %mul3A_632 = arith.muli %sub3A_393, %mul3A_631 : i32
        %dma_start3A_633 = tpu.memref_slice %arg5[%mul3A_632] : memref<25600xi32, #tpu.memory_space<vmem>> -> memref<256xi32, #tpu.memory_space<vmem>>
        %dma_start3A_634 = arith.constant 0 : i32
        %dma_start3A_635 = arith.constant 0 : i32
        %dma_start3A_636 = tpu.memref_slice %arg2[%dma_start3A_634, %dma_start3A_635] : memref<1000000x64xf32, #tpu.memory_space<hbm>> -> memref<1000000x64xf32, #tpu.memory_space<hbm>>
        tpu.enqueue_indirect_dma source(%dma_start3A_636 : memref<1000000x64xf32, #tpu.memory_space<hbm>>) target(%arg7 : memref<256x64xf32, #tpu.memory_space<vmem>>) offsets(%dma_start3A_633 : memref<256xi32, #tpu.memory_space<vmem>>) semaphore(%arg12 : memref<!tpu.dma_semaphore, #tpu.memory_space<semaphore_mem>>)
      } else {
      }
      %dma_wait3A_399 = arith.constant 0 : i32
      %dma_wait3A_400 = tpu.memref_slice %arg5[%dma_wait3A_399] : memref<25600xi32, #tpu.memory_space<vmem>> -> memref<256xi32, #tpu.memory_space<vmem>>
      %dma_wait3A_401 = arith.constant 0 : i32
      %dma_wait3A_402 = arith.constant 0 : i32
      %dma_wait3A_403 = tpu.memref_slice %arg2[%dma_wait3A_401, %dma_wait3A_402] : memref<1000000x64xf32, #tpu.memory_space<hbm>> -> memref<1000000x64xf32, #tpu.memory_space<hbm>>
      tpu.wait_indirect_dma semaphore(%arg13 : memref<!tpu.dma_semaphore, #tpu.memory_space<semaphore_mem>>) src(%dma_wait3A_403 : memref<1000000x64xf32, #tpu.memory_space<hbm>>) dst(%arg8 : memref<256x64xf32, #tpu.memory_space<vmem>>)
      %mul3A_404 = arith.constant 256 : i32
      %mul3A_405 = arith.muli %add3A_389, %mul3A_404 : i32
      %add3A_406 = arith.addi %mul3A_2, %mul3A_405 : i32
      %jit3A_407 = arith.constant 4096 : i32
      %div3A_408 = arith.divsi %add3A_406, %jit3A_407 : i32
      %sign3A_409 = arith.constant 0 : i32
      %sign3A_410 = arith.cmpi sgt, %add3A_406, %sign3A_409 : i32
      %sign3A_411 = arith.extui %sign3A_410 : i1 to i32
      %sign3A_412 = arith.constant 0 : i32
      %sign3A_413 = arith.cmpi slt, %add3A_406, %sign3A_412 : i32
      %sign3A_414 = arith.extui %sign3A_413 : i1 to i32
      %sign3A_415 = arith.subi %sign3A_411, %sign3A_414 : i32
      %sign3A_416 = arith.constant 0 : i32
      %sign3A_417 = arith.cmpi sgt, %jit3A_407, %sign3A_416 : i32
      %sign3A_418 = arith.extui %sign3A_417 : i1 to i32
      %sign3A_419 = arith.constant 0 : i32
      %sign3A_420 = arith.cmpi slt, %jit3A_407, %sign3A_419 : i32
      %sign3A_421 = arith.extui %sign3A_420 : i1 to i32
      %sign3A_422 = arith.subi %sign3A_418, %sign3A_421 : i32
      %ne3A_423 = arith.cmpi ne, %sign3A_415, %sign3A_422 : i32
      %rem3A_424 = arith.remsi %add3A_406, %jit3A_407 : i32
      %ne3A_425 = arith.constant 0 : i32
      %ne3A_426 = arith.cmpi ne, %rem3A_424, %ne3A_425 : i32
      %and3A_427 = arith.andi %ne3A_423, %ne3A_426 : i1
      %sub3A_428 = arith.constant 1 : i32
      %sub3A_429 = arith.subi %div3A_408, %sub3A_428 : i32
      %select_n3A_430 = arith.select %and3A_427, %sub3A_429, %div3A_408 : i32
      %jit3A_431 = arith.constant 4096 : i32
      %eq3A_432 = arith.constant 0 : i32
      %eq3A_433 = arith.cmpi eq, %jit3A_431, %eq3A_432 : i32
      %jit3A_434 = arith.constant 1 : i32
      %select_n3A_435 = arith.select %eq3A_433, %jit3A_434, %jit3A_431 : i32
      %rem3A_436 = arith.remsi %add3A_406, %select_n3A_435 : i32
      %ne3A_437 = arith.constant 0 : i32
      %ne3A_438 = arith.cmpi ne, %rem3A_436, %ne3A_437 : i32
      %lt3A_439 = arith.constant 0 : i32
      %lt3A_440 = arith.cmpi slt, %rem3A_436, %lt3A_439 : i32
      %lt3A_441 = arith.constant 0 : i32
      %lt3A_442 = arith.cmpi slt, %select_n3A_435, %lt3A_441 : i32
      %ne3A_443 = arith.xori %lt3A_440, %lt3A_442 : i1
      %and3A_444 = arith.andi %ne3A_443, %ne3A_438 : i1
      %add3A_445 = arith.addi %rem3A_436, %select_n3A_435 : i32
      %select_n3A_446 = arith.select %and3A_444, %add3A_445, %rem3A_436 : i32
      %dma_start3A_447 = arith.constant 0 : i32
      %dma_start3A_448 = tpu.memref_slice %arg4[%select_n3A_430, %select_n3A_446, %dma_start3A_447] : memref<200x4096x128xf32, #tpu.memory_space<hbm>> -> memref<1x256x64xf32, #tpu.memory_space<hbm>>
      %dma_start3A_449 = tpu.memref_squeeze %dma_start3A_448 : memref<1x256x64xf32, #tpu.memory_space<hbm>> -> memref<256x64xf32, #tpu.memory_space<hbm>>
      %dma_start3A_450 = arith.constant 0 : i32
      %dma_start3A_451 = tpu.memref_slice %arg4[%select_n3A_430, %select_n3A_446, %dma_start3A_450] : memref<200x4096x128xf32, #tpu.memory_space<hbm>> -> memref<1x256x64xf32, #tpu.memory_space<hbm>>
      %dma_start3A_452 = tpu.memref_squeeze %dma_start3A_451 : memref<1x256x64xf32, #tpu.memory_space<hbm>> -> memref<256x64xf32, #tpu.memory_space<hbm>>
      tpu.enqueue_dma source(%arg8 : memref<256x64xf32, #tpu.memory_space<vmem>>) target(%dma_start3A_452 : memref<256x64xf32, #tpu.memory_space<hbm>>) target_semaphore(%arg18 : memref<!tpu.dma_semaphore, #tpu.memory_space<semaphore_mem>>)
      %add3A_453 = arith.constant 3 : i32
      %add3A_454 = arith.addi %add3A_259, %add3A_453 : i32
      %add3A_455 = arith.constant 5 : i32
      %add3A_456 = arith.addi %add3A_454, %add3A_455 : i32
      %sub3A_457 = arith.constant 1 : i32
      %sub3A_458 = arith.subi %add3A_456, %sub3A_457 : i32
      %lt3A_459 = arith.constant 100 : i32
      %lt3A_460 = arith.cmpi slt, %sub3A_458, %lt3A_459 : i32
      %convert_element_type3A_461 = arith.extui %lt3A_460 : i1 to i32
      %cond3A_462 = arith.constant 0 : i32
      %cond3A_463 = arith.cmpi ne, %convert_element_type3A_461, %cond3A_462 : i32
      scf.if %cond3A_463 {
        %add3A_583 = arith.constant 0 : i32
        %add3A_584 = arith.addi %mul3A_2, %add3A_583 : i32
        %jit3A_585 = arith.constant 4096 : i32
        %div3A_586 = arith.divsi %add3A_584, %jit3A_585 : i32
        %sign3A_587 = arith.constant 0 : i32
        %sign3A_588 = arith.cmpi sgt, %add3A_584, %sign3A_587 : i32
        %sign3A_589 = arith.extui %sign3A_588 : i1 to i32
        %sign3A_590 = arith.constant 0 : i32
        %sign3A_591 = arith.cmpi slt, %add3A_584, %sign3A_590 : i32
        %sign3A_592 = arith.extui %sign3A_591 : i1 to i32
        %sign3A_593 = arith.subi %sign3A_589, %sign3A_592 : i32
        %sign3A_594 = arith.constant 0 : i32
        %sign3A_595 = arith.cmpi sgt, %jit3A_585, %sign3A_594 : i32
        %sign3A_596 = arith.extui %sign3A_595 : i1 to i32
        %sign3A_597 = arith.constant 0 : i32
        %sign3A_598 = arith.cmpi slt, %jit3A_585, %sign3A_597 : i32
        %sign3A_599 = arith.extui %sign3A_598 : i1 to i32
        %sign3A_600 = arith.subi %sign3A_596, %sign3A_599 : i32
        %ne3A_601 = arith.cmpi ne, %sign3A_593, %sign3A_600 : i32
        %rem3A_602 = arith.remsi %add3A_584, %jit3A_585 : i32
        %ne3A_603 = arith.constant 0 : i32
        %ne3A_604 = arith.cmpi ne, %rem3A_602, %ne3A_603 : i32
        %and3A_605 = arith.andi %ne3A_601, %ne3A_604 : i1
        %sub3A_606 = arith.constant 1 : i32
        %sub3A_607 = arith.subi %div3A_586, %sub3A_606 : i32
        %select_n3A_608 = arith.select %and3A_605, %sub3A_607, %div3A_586 : i32
        %jit3A_609 = arith.constant 4096 : i32
        %eq3A_610 = arith.constant 0 : i32
        %eq3A_611 = arith.cmpi eq, %jit3A_609, %eq3A_610 : i32
        %jit3A_612 = arith.constant 1 : i32
        %select_n3A_613 = arith.select %eq3A_611, %jit3A_612, %jit3A_609 : i32
        %rem3A_614 = arith.remsi %add3A_584, %select_n3A_613 : i32
        %ne3A_615 = arith.constant 0 : i32
        %ne3A_616 = arith.cmpi ne, %rem3A_614, %ne3A_615 : i32
        %lt3A_617 = arith.constant 0 : i32
        %lt3A_618 = arith.cmpi slt, %rem3A_614, %lt3A_617 : i32
        %lt3A_619 = arith.constant 0 : i32
        %lt3A_620 = arith.cmpi slt, %select_n3A_613, %lt3A_619 : i32
        %ne3A_621 = arith.xori %lt3A_618, %lt3A_620 : i1
        %and3A_622 = arith.andi %ne3A_621, %ne3A_616 : i1
        %add3A_623 = arith.addi %rem3A_614, %select_n3A_613 : i32
        %select_n3A_624 = arith.select %and3A_622, %add3A_623, %rem3A_614 : i32
        %dma_wait3A_625 = arith.constant 0 : i32
        %dma_wait3A_626 = tpu.memref_slice %arg4[%select_n3A_608, %select_n3A_624, %dma_wait3A_625] : memref<200x4096x128xf32, #tpu.memory_space<hbm>> -> memref<1x256x64xf32, #tpu.memory_space<hbm>>
        %dma_wait3A_627 = tpu.memref_squeeze %dma_wait3A_626 : memref<1x256x64xf32, #tpu.memory_space<hbm>> -> memref<256x64xf32, #tpu.memory_space<hbm>>
        %dma_wait3A_628 = arith.constant 0 : i32
        %dma_wait3A_629 = tpu.memref_slice %arg4[%select_n3A_608, %select_n3A_624, %dma_wait3A_628] : memref<200x4096x128xf32, #tpu.memory_space<hbm>> -> memref<1x256x64xf32, #tpu.memory_space<hbm>>
        %dma_wait3A_630 = tpu.memref_squeeze %dma_wait3A_629 : memref<1x256x64xf32, #tpu.memory_space<hbm>> -> memref<256x64xf32, #tpu.memory_space<hbm>>
        tpu.wait_dma2 semaphore(%arg18 : memref<!tpu.dma_semaphore, #tpu.memory_space<semaphore_mem>>) src(%arg8 : memref<256x64xf32, #tpu.memory_space<vmem>>) dst(%dma_wait3A_630 : memref<256x64xf32, #tpu.memory_space<hbm>>)
        %mul3A_631 = arith.constant 256 : i32
        %mul3A_632 = arith.muli %sub3A_458, %mul3A_631 : i32
        %dma_start3A_633 = tpu.memref_slice %arg5[%mul3A_632] : memref<25600xi32, #tpu.memory_space<vmem>> -> memref<256xi32, #tpu.memory_space<vmem>>
        %dma_start3A_634 = arith.constant 0 : i32
        %dma_start3A_635 = arith.constant 0 : i32
        %dma_start3A_636 = tpu.memref_slice %arg2[%dma_start3A_634, %dma_start3A_635] : memref<1000000x64xf32, #tpu.memory_space<hbm>> -> memref<1000000x64xf32, #tpu.memory_space<hbm>>
        tpu.enqueue_indirect_dma source(%dma_start3A_636 : memref<1000000x64xf32, #tpu.memory_space<hbm>>) target(%arg8 : memref<256x64xf32, #tpu.memory_space<vmem>>) offsets(%dma_start3A_633 : memref<256xi32, #tpu.memory_space<vmem>>) semaphore(%arg13 : memref<!tpu.dma_semaphore, #tpu.memory_space<semaphore_mem>>)
      } else {
      }
      %dma_wait3A_464 = arith.constant 0 : i32
      %dma_wait3A_465 = tpu.memref_slice %arg5[%dma_wait3A_464] : memref<25600xi32, #tpu.memory_space<vmem>> -> memref<256xi32, #tpu.memory_space<vmem>>
      %dma_wait3A_466 = arith.constant 0 : i32
      %dma_wait3A_467 = arith.constant 0 : i32
      %dma_wait3A_468 = tpu.memref_slice %arg2[%dma_wait3A_466, %dma_wait3A_467] : memref<1000000x64xf32, #tpu.memory_space<hbm>> -> memref<1000000x64xf32, #tpu.memory_space<hbm>>
      tpu.wait_indirect_dma semaphore(%arg14 : memref<!tpu.dma_semaphore, #tpu.memory_space<semaphore_mem>>) src(%dma_wait3A_468 : memref<1000000x64xf32, #tpu.memory_space<hbm>>) dst(%arg9 : memref<256x64xf32, #tpu.memory_space<vmem>>)
      %mul3A_469 = arith.constant 256 : i32
      %mul3A_470 = arith.muli %add3A_454, %mul3A_469 : i32
      %add3A_471 = arith.addi %mul3A_2, %mul3A_470 : i32
      %jit3A_472 = arith.constant 4096 : i32
      %div3A_473 = arith.divsi %add3A_471, %jit3A_472 : i32
      %sign3A_474 = arith.constant 0 : i32
      %sign3A_475 = arith.cmpi sgt, %add3A_471, %sign3A_474 : i32
      %sign3A_476 = arith.extui %sign3A_475 : i1 to i32
      %sign3A_477 = arith.constant 0 : i32
      %sign3A_478 = arith.cmpi slt, %add3A_471, %sign3A_477 : i32
      %sign3A_479 = arith.extui %sign3A_478 : i1 to i32
      %sign3A_480 = arith.subi %sign3A_476, %sign3A_479 : i32
      %sign3A_481 = arith.constant 0 : i32
      %sign3A_482 = arith.cmpi sgt, %jit3A_472, %sign3A_481 : i32
      %sign3A_483 = arith.extui %sign3A_482 : i1 to i32
      %sign3A_484 = arith.constant 0 : i32
      %sign3A_485 = arith.cmpi slt, %jit3A_472, %sign3A_484 : i32
      %sign3A_486 = arith.extui %sign3A_485 : i1 to i32
      %sign3A_487 = arith.subi %sign3A_483, %sign3A_486 : i32
      %ne3A_488 = arith.cmpi ne, %sign3A_480, %sign3A_487 : i32
      %rem3A_489 = arith.remsi %add3A_471, %jit3A_472 : i32
      %ne3A_490 = arith.constant 0 : i32
      %ne3A_491 = arith.cmpi ne, %rem3A_489, %ne3A_490 : i32
      %and3A_492 = arith.andi %ne3A_488, %ne3A_491 : i1
      %sub3A_493 = arith.constant 1 : i32
      %sub3A_494 = arith.subi %div3A_473, %sub3A_493 : i32
      %select_n3A_495 = arith.select %and3A_492, %sub3A_494, %div3A_473 : i32
      %jit3A_496 = arith.constant 4096 : i32
      %eq3A_497 = arith.constant 0 : i32
      %eq3A_498 = arith.cmpi eq, %jit3A_496, %eq3A_497 : i32
      %jit3A_499 = arith.constant 1 : i32
      %select_n3A_500 = arith.select %eq3A_498, %jit3A_499, %jit3A_496 : i32
      %rem3A_501 = arith.remsi %add3A_471, %select_n3A_500 : i32
      %ne3A_502 = arith.constant 0 : i32
      %ne3A_503 = arith.cmpi ne, %rem3A_501, %ne3A_502 : i32
      %lt3A_504 = arith.constant 0 : i32
      %lt3A_505 = arith.cmpi slt, %rem3A_501, %lt3A_504 : i32
      %lt3A_506 = arith.constant 0 : i32
      %lt3A_507 = arith.cmpi slt, %select_n3A_500, %lt3A_506 : i32
      %ne3A_508 = arith.xori %lt3A_505, %lt3A_507 : i1
      %and3A_509 = arith.andi %ne3A_508, %ne3A_503 : i1
      %add3A_510 = arith.addi %rem3A_501, %select_n3A_500 : i32
      %select_n3A_511 = arith.select %and3A_509, %add3A_510, %rem3A_501 : i32
      %dma_start3A_512 = arith.constant 0 : i32
      %dma_start3A_513 = tpu.memref_slice %arg4[%select_n3A_495, %select_n3A_511, %dma_start3A_512] : memref<200x4096x128xf32, #tpu.memory_space<hbm>> -> memref<1x256x64xf32, #tpu.memory_space<hbm>>
      %dma_start3A_514 = tpu.memref_squeeze %dma_start3A_513 : memref<1x256x64xf32, #tpu.memory_space<hbm>> -> memref<256x64xf32, #tpu.memory_space<hbm>>
      %dma_start3A_515 = arith.constant 0 : i32
      %dma_start3A_516 = tpu.memref_slice %arg4[%select_n3A_495, %select_n3A_511, %dma_start3A_515] : memref<200x4096x128xf32, #tpu.memory_space<hbm>> -> memref<1x256x64xf32, #tpu.memory_space<hbm>>
      %dma_start3A_517 = tpu.memref_squeeze %dma_start3A_516 : memref<1x256x64xf32, #tpu.memory_space<hbm>> -> memref<256x64xf32, #tpu.memory_space<hbm>>
      tpu.enqueue_dma source(%arg9 : memref<256x64xf32, #tpu.memory_space<vmem>>) target(%dma_start3A_517 : memref<256x64xf32, #tpu.memory_space<hbm>>) target_semaphore(%arg19 : memref<!tpu.dma_semaphore, #tpu.memory_space<semaphore_mem>>)
      %add3A_518 = arith.constant 4 : i32
      %add3A_519 = arith.addi %add3A_259, %add3A_518 : i32
      %add3A_520 = arith.constant 5 : i32
      %add3A_521 = arith.addi %add3A_519, %add3A_520 : i32
      %sub3A_522 = arith.constant 1 : i32
      %sub3A_523 = arith.subi %add3A_521, %sub3A_522 : i32
      %lt3A_524 = arith.constant 100 : i32
      %lt3A_525 = arith.cmpi slt, %sub3A_523, %lt3A_524 : i32
      %convert_element_type3A_526 = arith.extui %lt3A_525 : i1 to i32
      %cond3A_527 = arith.constant 0 : i32
      %cond3A_528 = arith.cmpi ne, %convert_element_type3A_526, %cond3A_527 : i32
      scf.if %cond3A_528 {
        %add3A_583 = arith.constant 0 : i32
        %add3A_584 = arith.addi %mul3A_2, %add3A_583 : i32
        %jit3A_585 = arith.constant 4096 : i32
        %div3A_586 = arith.divsi %add3A_584, %jit3A_585 : i32
        %sign3A_587 = arith.constant 0 : i32
        %sign3A_588 = arith.cmpi sgt, %add3A_584, %sign3A_587 : i32
        %sign3A_589 = arith.extui %sign3A_588 : i1 to i32
        %sign3A_590 = arith.constant 0 : i32
        %sign3A_591 = arith.cmpi slt, %add3A_584, %sign3A_590 : i32
        %sign3A_592 = arith.extui %sign3A_591 : i1 to i32
        %sign3A_593 = arith.subi %sign3A_589, %sign3A_592 : i32
        %sign3A_594 = arith.constant 0 : i32
        %sign3A_595 = arith.cmpi sgt, %jit3A_585, %sign3A_594 : i32
        %sign3A_596 = arith.extui %sign3A_595 : i1 to i32
        %sign3A_597 = arith.constant 0 : i32
        %sign3A_598 = arith.cmpi slt, %jit3A_585, %sign3A_597 : i32
        %sign3A_599 = arith.extui %sign3A_598 : i1 to i32
        %sign3A_600 = arith.subi %sign3A_596, %sign3A_599 : i32
        %ne3A_601 = arith.cmpi ne, %sign3A_593, %sign3A_600 : i32
        %rem3A_602 = arith.remsi %add3A_584, %jit3A_585 : i32
        %ne3A_603 = arith.constant 0 : i32
        %ne3A_604 = arith.cmpi ne, %rem3A_602, %ne3A_603 : i32
        %and3A_605 = arith.andi %ne3A_601, %ne3A_604 : i1
        %sub3A_606 = arith.constant 1 : i32
        %sub3A_607 = arith.subi %div3A_586, %sub3A_606 : i32
        %select_n3A_608 = arith.select %and3A_605, %sub3A_607, %div3A_586 : i32
        %jit3A_609 = arith.constant 4096 : i32
        %eq3A_610 = arith.constant 0 : i32
        %eq3A_611 = arith.cmpi eq, %jit3A_609, %eq3A_610 : i32
        %jit3A_612 = arith.constant 1 : i32
        %select_n3A_613 = arith.select %eq3A_611, %jit3A_612, %jit3A_609 : i32
        %rem3A_614 = arith.remsi %add3A_584, %select_n3A_613 : i32
        %ne3A_615 = arith.constant 0 : i32
        %ne3A_616 = arith.cmpi ne, %rem3A_614, %ne3A_615 : i32
        %lt3A_617 = arith.constant 0 : i32
        %lt3A_618 = arith.cmpi slt, %rem3A_614, %lt3A_617 : i32
        %lt3A_619 = arith.constant 0 : i32
        %lt3A_620 = arith.cmpi slt, %select_n3A_613, %lt3A_619 : i32
        %ne3A_621 = arith.xori %lt3A_618, %lt3A_620 : i1
        %and3A_622 = arith.andi %ne3A_621, %ne3A_616 : i1
        %add3A_623 = arith.addi %rem3A_614, %select_n3A_613 : i32
        %select_n3A_624 = arith.select %and3A_622, %add3A_623, %rem3A_614 : i32
        %dma_wait3A_625 = arith.constant 0 : i32
        %dma_wait3A_626 = tpu.memref_slice %arg4[%select_n3A_608, %select_n3A_624, %dma_wait3A_625] : memref<200x4096x128xf32, #tpu.memory_space<hbm>> -> memref<1x256x64xf32, #tpu.memory_space<hbm>>
        %dma_wait3A_627 = tpu.memref_squeeze %dma_wait3A_626 : memref<1x256x64xf32, #tpu.memory_space<hbm>> -> memref<256x64xf32, #tpu.memory_space<hbm>>
        %dma_wait3A_628 = arith.constant 0 : i32
        %dma_wait3A_629 = tpu.memref_slice %arg4[%select_n3A_608, %select_n3A_624, %dma_wait3A_628] : memref<200x4096x128xf32, #tpu.memory_space<hbm>> -> memref<1x256x64xf32, #tpu.memory_space<hbm>>
        %dma_wait3A_630 = tpu.memref_squeeze %dma_wait3A_629 : memref<1x256x64xf32, #tpu.memory_space<hbm>> -> memref<256x64xf32, #tpu.memory_space<hbm>>
        tpu.wait_dma2 semaphore(%arg19 : memref<!tpu.dma_semaphore, #tpu.memory_space<semaphore_mem>>) src(%arg9 : memref<256x64xf32, #tpu.memory_space<vmem>>) dst(%dma_wait3A_630 : memref<256x64xf32, #tpu.memory_space<hbm>>)
        %mul3A_631 = arith.constant 256 : i32
        %mul3A_632 = arith.muli %sub3A_523, %mul3A_631 : i32
        %dma_start3A_633 = tpu.memref_slice %arg5[%mul3A_632] : memref<25600xi32, #tpu.memory_space<vmem>> -> memref<256xi32, #tpu.memory_space<vmem>>
        %dma_start3A_634 = arith.constant 0 : i32
        %dma_start3A_635 = arith.constant 0 : i32
        %dma_start3A_636 = tpu.memref_slice %arg2[%dma_start3A_634, %dma_start3A_635] : memref<1000000x64xf32, #tpu.memory_space<hbm>> -> memref<1000000x64xf32, #tpu.memory_space<hbm>>
        tpu.enqueue_indirect_dma source(%dma_start3A_636 : memref<1000000x64xf32, #tpu.memory_space<hbm>>) target(%arg9 : memref<256x64xf32, #tpu.memory_space<vmem>>) offsets(%dma_start3A_633 : memref<256xi32, #tpu.memory_space<vmem>>) semaphore(%arg14 : memref<!tpu.dma_semaphore, #tpu.memory_space<semaphore_mem>>)
      } else {
      }
      %dma_wait3A_529 = arith.constant 0 : i32
      %dma_wait3A_530 = tpu.memref_slice %arg5[%dma_wait3A_529] : memref<25600xi32, #tpu.memory_space<vmem>> -> memref<256xi32, #tpu.memory_space<vmem>>
      %dma_wait3A_531 = arith.constant 0 : i32
      %dma_wait3A_532 = arith.constant 0 : i32
      %dma_wait3A_533 = tpu.memref_slice %arg2[%dma_wait3A_531, %dma_wait3A_532] : memref<1000000x64xf32, #tpu.memory_space<hbm>> -> memref<1000000x64xf32, #tpu.memory_space<hbm>>
      tpu.wait_indirect_dma semaphore(%arg15 : memref<!tpu.dma_semaphore, #tpu.memory_space<semaphore_mem>>) src(%dma_wait3A_533 : memref<1000000x64xf32, #tpu.memory_space<hbm>>) dst(%arg10 : memref<256x64xf32, #tpu.memory_space<vmem>>)
      %mul3A_534 = arith.constant 256 : i32
      %mul3A_535 = arith.muli %add3A_519, %mul3A_534 : i32
      %add3A_536 = arith.addi %mul3A_2, %mul3A_535 : i32
      %jit3A_537 = arith.constant 4096 : i32
      %div3A_538 = arith.divsi %add3A_536, %jit3A_537 : i32
      %sign3A_539 = arith.constant 0 : i32
      %sign3A_540 = arith.cmpi sgt, %add3A_536, %sign3A_539 : i32
      %sign3A_541 = arith.extui %sign3A_540 : i1 to i32
      %sign3A_542 = arith.constant 0 : i32
      %sign3A_543 = arith.cmpi slt, %add3A_536, %sign3A_542 : i32
      %sign3A_544 = arith.extui %sign3A_543 : i1 to i32
      %sign3A_545 = arith.subi %sign3A_541, %sign3A_544 : i32
      %sign3A_546 = arith.constant 0 : i32
      %sign3A_547 = arith.cmpi sgt, %jit3A_537, %sign3A_546 : i32
      %sign3A_548 = arith.extui %sign3A_547 : i1 to i32
      %sign3A_549 = arith.constant 0 : i32
      %sign3A_550 = arith.cmpi slt, %jit3A_537, %sign3A_549 : i32
      %sign3A_551 = arith.extui %sign3A_550 : i1 to i32
      %sign3A_552 = arith.subi %sign3A_548, %sign3A_551 : i32
      %ne3A_553 = arith.cmpi ne, %sign3A_545, %sign3A_552 : i32
      %rem3A_554 = arith.remsi %add3A_536, %jit3A_537 : i32
      %ne3A_555 = arith.constant 0 : i32
      %ne3A_556 = arith.cmpi ne, %rem3A_554, %ne3A_555 : i32
      %and3A_557 = arith.andi %ne3A_553, %ne3A_556 : i1
      %sub3A_558 = arith.constant 1 : i32
      %sub3A_559 = arith.subi %div3A_538, %sub3A_558 : i32
      %select_n3A_560 = arith.select %and3A_557, %sub3A_559, %div3A_538 : i32
      %jit3A_561 = arith.constant 4096 : i32
      %eq3A_562 = arith.constant 0 : i32
      %eq3A_563 = arith.cmpi eq, %jit3A_561, %eq3A_562 : i32
      %jit3A_564 = arith.constant 1 : i32
      %select_n3A_565 = arith.select %eq3A_563, %jit3A_564, %jit3A_561 : i32
      %rem3A_566 = arith.remsi %add3A_536, %select_n3A_565 : i32
      %ne3A_567 = arith.constant 0 : i32
      %ne3A_568 = arith.cmpi ne, %rem3A_566, %ne3A_567 : i32
      %lt3A_569 = arith.constant 0 : i32
      %lt3A_570 = arith.cmpi slt, %rem3A_566, %lt3A_569 : i32
      %lt3A_571 = arith.constant 0 : i32
      %lt3A_572 = arith.cmpi slt, %select_n3A_565, %lt3A_571 : i32
      %ne3A_573 = arith.xori %lt3A_570, %lt3A_572 : i1
      %and3A_574 = arith.andi %ne3A_573, %ne3A_568 : i1
      %add3A_575 = arith.addi %rem3A_566, %select_n3A_565 : i32
      %select_n3A_576 = arith.select %and3A_574, %add3A_575, %rem3A_566 : i32
      %dma_start3A_577 = arith.constant 0 : i32
      %dma_start3A_578 = tpu.memref_slice %arg4[%select_n3A_560, %select_n3A_576, %dma_start3A_577] : memref<200x4096x128xf32, #tpu.memory_space<hbm>> -> memref<1x256x64xf32, #tpu.memory_space<hbm>>
      %dma_start3A_579 = tpu.memref_squeeze %dma_start3A_578 : memref<1x256x64xf32, #tpu.memory_space<hbm>> -> memref<256x64xf32, #tpu.memory_space<hbm>>
      %dma_start3A_580 = arith.constant 0 : i32
      %dma_start3A_581 = tpu.memref_slice %arg4[%select_n3A_560, %select_n3A_576, %dma_start3A_580] : memref<200x4096x128xf32, #tpu.memory_space<hbm>> -> memref<1x256x64xf32, #tpu.memory_space<hbm>>
      %dma_start3A_582 = tpu.memref_squeeze %dma_start3A_581 : memref<1x256x64xf32, #tpu.memory_space<hbm>> -> memref<256x64xf32, #tpu.memory_space<hbm>>
      tpu.enqueue_dma source(%arg10 : memref<256x64xf32, #tpu.memory_space<vmem>>) target(%dma_start3A_582 : memref<256x64xf32, #tpu.memory_space<hbm>>) target_semaphore(%arg20 : memref<!tpu.dma_semaphore, #tpu.memory_space<semaphore_mem>>)
    }
    %scan3A_25 = arith.constant 20 : i32
    %add3A_26 = arith.constant 0 : i32
    %add3A_27 = arith.addi %mul3A_2, %add3A_26 : i32
    %jit3A = arith.constant 4096 : i32
    %div3A = arith.divsi %add3A_27, %jit3A : i32
    %sign3A = arith.constant 0 : i32
    %sign3A_28 = arith.cmpi sgt, %add3A_27, %sign3A : i32
    %sign3A_29 = arith.extui %sign3A_28 : i1 to i32
    %sign3A_30 = arith.constant 0 : i32
    %sign3A_31 = arith.cmpi slt, %add3A_27, %sign3A_30 : i32
    %sign3A_32 = arith.extui %sign3A_31 : i1 to i32
    %sign3A_33 = arith.subi %sign3A_29, %sign3A_32 : i32
    %sign3A_34 = arith.constant 0 : i32
    %sign3A_35 = arith.cmpi sgt, %jit3A, %sign3A_34 : i32
    %sign3A_36 = arith.extui %sign3A_35 : i1 to i32
    %sign3A_37 = arith.constant 0 : i32
    %sign3A_38 = arith.cmpi slt, %jit3A, %sign3A_37 : i32
    %sign3A_39 = arith.extui %sign3A_38 : i1 to i32
    %sign3A_40 = arith.subi %sign3A_36, %sign3A_39 : i32
    %ne3A = arith.cmpi ne, %sign3A_33, %sign3A_40 : i32
    %rem3A = arith.remsi %add3A_27, %jit3A : i32
    %ne3A_41 = arith.constant 0 : i32
    %ne3A_42 = arith.cmpi ne, %rem3A, %ne3A_41 : i32
    %and3A = arith.andi %ne3A, %ne3A_42 : i1
    %sub3A = arith.constant 1 : i32
    %sub3A_43 = arith.subi %div3A, %sub3A : i32
    %select_n3A = arith.select %and3A, %sub3A_43, %div3A : i32
    %jit3A_44 = arith.constant 4096 : i32
    %eq3A = arith.constant 0 : i32
    %eq3A_45 = arith.cmpi eq, %jit3A_44, %eq3A : i32
    %jit3A_46 = arith.constant 1 : i32
    %select_n3A_47 = arith.select %eq3A_45, %jit3A_46, %jit3A_44 : i32
    %rem3A_48 = arith.remsi %add3A_27, %select_n3A_47 : i32
    %ne3A_49 = arith.constant 0 : i32
    %ne3A_50 = arith.cmpi ne, %rem3A_48, %ne3A_49 : i32
    %lt3A = arith.constant 0 : i32
    %lt3A_51 = arith.cmpi slt, %rem3A_48, %lt3A : i32
    %lt3A_52 = arith.constant 0 : i32
    %lt3A_53 = arith.cmpi slt, %select_n3A_47, %lt3A_52 : i32
    %ne3A_54 = arith.xori %lt3A_51, %lt3A_53 : i1
    %and3A_55 = arith.andi %ne3A_54, %ne3A_50 : i1
    %add3A_56 = arith.addi %rem3A_48, %select_n3A_47 : i32
    %select_n3A_57 = arith.select %and3A_55, %add3A_56, %rem3A_48 : i32
    %dma_wait3A = arith.constant 0 : i32
    %dma_wait3A_58 = tpu.memref_slice %arg4[%select_n3A, %select_n3A_57, %dma_wait3A] : memref<200x4096x128xf32, #tpu.memory_space<hbm>> -> memref<1x256x64xf32, #tpu.memory_space<hbm>>
    %dma_wait3A_59 = tpu.memref_squeeze %dma_wait3A_58 : memref<1x256x64xf32, #tpu.memory_space<hbm>> -> memref<256x64xf32, #tpu.memory_space<hbm>>
    %dma_wait3A_60 = arith.constant 0 : i32
    %dma_wait3A_61 = tpu.memref_slice %arg4[%select_n3A, %select_n3A_57, %dma_wait3A_60] : memref<200x4096x128xf32, #tpu.memory_space<hbm>> -> memref<1x256x64xf32, #tpu.memory_space<hbm>>
    %dma_wait3A_62 = tpu.memref_squeeze %dma_wait3A_61 : memref<1x256x64xf32, #tpu.memory_space<hbm>> -> memref<256x64xf32, #tpu.memory_space<hbm>>
    tpu.wait_dma2 semaphore(%arg16 : memref<!tpu.dma_semaphore, #tpu.memory_space<semaphore_mem>>) src(%arg6 : memref<256x64xf32, #tpu.memory_space<vmem>>) dst(%dma_wait3A_62 : memref<256x64xf32, #tpu.memory_space<hbm>>)
    %add3A_63 = arith.constant 0 : i32
    %add3A_64 = arith.addi %mul3A_2, %add3A_63 : i32
    %jit3A_65 = arith.constant 4096 : i32
    %div3A_66 = arith.divsi %add3A_64, %jit3A_65 : i32
    %sign3A_67 = arith.constant 0 : i32
    %sign3A_68 = arith.cmpi sgt, %add3A_64, %sign3A_67 : i32
    %sign3A_69 = arith.extui %sign3A_68 : i1 to i32
    %sign3A_70 = arith.constant 0 : i32
    %sign3A_71 = arith.cmpi slt, %add3A_64, %sign3A_70 : i32
    %sign3A_72 = arith.extui %sign3A_71 : i1 to i32
    %sign3A_73 = arith.subi %sign3A_69, %sign3A_72 : i32
    %sign3A_74 = arith.constant 0 : i32
    %sign3A_75 = arith.cmpi sgt, %jit3A_65, %sign3A_74 : i32
    %sign3A_76 = arith.extui %sign3A_75 : i1 to i32
    %sign3A_77 = arith.constant 0 : i32
    %sign3A_78 = arith.cmpi slt, %jit3A_65, %sign3A_77 : i32
    %sign3A_79 = arith.extui %sign3A_78 : i1 to i32
    %sign3A_80 = arith.subi %sign3A_76, %sign3A_79 : i32
    %ne3A_81 = arith.cmpi ne, %sign3A_73, %sign3A_80 : i32
    %rem3A_82 = arith.remsi %add3A_64, %jit3A_65 : i32
    %ne3A_83 = arith.constant 0 : i32
    %ne3A_84 = arith.cmpi ne, %rem3A_82, %ne3A_83 : i32
    %and3A_85 = arith.andi %ne3A_81, %ne3A_84 : i1
    %sub3A_86 = arith.constant 1 : i32
    %sub3A_87 = arith.subi %div3A_66, %sub3A_86 : i32
    %select_n3A_88 = arith.select %and3A_85, %sub3A_87, %div3A_66 : i32
    %jit3A_89 = arith.constant 4096 : i32
    %eq3A_90 = arith.constant 0 : i32
    %eq3A_91 = arith.cmpi eq, %jit3A_89, %eq3A_90 : i32
    %jit3A_92 = arith.constant 1 : i32
    %select_n3A_93 = arith.select %eq3A_91, %jit3A_92, %jit3A_89 : i32
    %rem3A_94 = arith.remsi %add3A_64, %select_n3A_93 : i32
    %ne3A_95 = arith.constant 0 : i32
    %ne3A_96 = arith.cmpi ne, %rem3A_94, %ne3A_95 : i32
    %lt3A_97 = arith.constant 0 : i32
    %lt3A_98 = arith.cmpi slt, %rem3A_94, %lt3A_97 : i32
    %lt3A_99 = arith.constant 0 : i32
    %lt3A_100 = arith.cmpi slt, %select_n3A_93, %lt3A_99 : i32
    %ne3A_101 = arith.xori %lt3A_98, %lt3A_100 : i1
    %and3A_102 = arith.andi %ne3A_101, %ne3A_96 : i1
    %add3A_103 = arith.addi %rem3A_94, %select_n3A_93 : i32
    %select_n3A_104 = arith.select %and3A_102, %add3A_103, %rem3A_94 : i32
    %dma_wait3A_105 = arith.constant 0 : i32
    %dma_wait3A_106 = tpu.memref_slice %arg4[%select_n3A_88, %select_n3A_104, %dma_wait3A_105] : memref<200x4096x128xf32, #tpu.memory_space<hbm>> -> memref<1x256x64xf32, #tpu.memory_space<hbm>>
    %dma_wait3A_107 = tpu.memref_squeeze %dma_wait3A_106 : memref<1x256x64xf32, #tpu.memory_space<hbm>> -> memref<256x64xf32, #tpu.memory_space<hbm>>
    %dma_wait3A_108 = arith.constant 0 : i32
    %dma_wait3A_109 = tpu.memref_slice %arg4[%select_n3A_88, %select_n3A_104, %dma_wait3A_108] : memref<200x4096x128xf32, #tpu.memory_space<hbm>> -> memref<1x256x64xf32, #tpu.memory_space<hbm>>
    %dma_wait3A_110 = tpu.memref_squeeze %dma_wait3A_109 : memref<1x256x64xf32, #tpu.memory_space<hbm>> -> memref<256x64xf32, #tpu.memory_space<hbm>>
    tpu.wait_dma2 semaphore(%arg17 : memref<!tpu.dma_semaphore, #tpu.memory_space<semaphore_mem>>) src(%arg7 : memref<256x64xf32, #tpu.memory_space<vmem>>) dst(%dma_wait3A_110 : memref<256x64xf32, #tpu.memory_space<hbm>>)
    %add3A_111 = arith.constant 0 : i32
    %add3A_112 = arith.addi %mul3A_2, %add3A_111 : i32
    %jit3A_113 = arith.constant 4096 : i32
    %div3A_114 = arith.divsi %add3A_112, %jit3A_113 : i32
    %sign3A_115 = arith.constant 0 : i32
    %sign3A_116 = arith.cmpi sgt, %add3A_112, %sign3A_115 : i32
    %sign3A_117 = arith.extui %sign3A_116 : i1 to i32
    %sign3A_118 = arith.constant 0 : i32
    %sign3A_119 = arith.cmpi slt, %add3A_112, %sign3A_118 : i32
    %sign3A_120 = arith.extui %sign3A_119 : i1 to i32
    %sign3A_121 = arith.subi %sign3A_117, %sign3A_120 : i32
    %sign3A_122 = arith.constant 0 : i32
    %sign3A_123 = arith.cmpi sgt, %jit3A_113, %sign3A_122 : i32
    %sign3A_124 = arith.extui %sign3A_123 : i1 to i32
    %sign3A_125 = arith.constant 0 : i32
    %sign3A_126 = arith.cmpi slt, %jit3A_113, %sign3A_125 : i32
    %sign3A_127 = arith.extui %sign3A_126 : i1 to i32
    %sign3A_128 = arith.subi %sign3A_124, %sign3A_127 : i32
    %ne3A_129 = arith.cmpi ne, %sign3A_121, %sign3A_128 : i32
    %rem3A_130 = arith.remsi %add3A_112, %jit3A_113 : i32
    %ne3A_131 = arith.constant 0 : i32
    %ne3A_132 = arith.cmpi ne, %rem3A_130, %ne3A_131 : i32
    %and3A_133 = arith.andi %ne3A_129, %ne3A_132 : i1
    %sub3A_134 = arith.constant 1 : i32
    %sub3A_135 = arith.subi %div3A_114, %sub3A_134 : i32
    %select_n3A_136 = arith.select %and3A_133, %sub3A_135, %div3A_114 : i32
    %jit3A_137 = arith.constant 4096 : i32
    %eq3A_138 = arith.constant 0 : i32
    %eq3A_139 = arith.cmpi eq, %jit3A_137, %eq3A_138 : i32
    %jit3A_140 = arith.constant 1 : i32
    %select_n3A_141 = arith.select %eq3A_139, %jit3A_140, %jit3A_137 : i32
    %rem3A_142 = arith.remsi %add3A_112, %select_n3A_141 : i32
    %ne3A_143 = arith.constant 0 : i32
    %ne3A_144 = arith.cmpi ne, %rem3A_142, %ne3A_143 : i32
    %lt3A_145 = arith.constant 0 : i32
    %lt3A_146 = arith.cmpi slt, %rem3A_142, %lt3A_145 : i32
    %lt3A_147 = arith.constant 0 : i32
    %lt3A_148 = arith.cmpi slt, %select_n3A_141, %lt3A_147 : i32
    %ne3A_149 = arith.xori %lt3A_146, %lt3A_148 : i1
    %and3A_150 = arith.andi %ne3A_149, %ne3A_144 : i1
    %add3A_151 = arith.addi %rem3A_142, %select_n3A_141 : i32
    %select_n3A_152 = arith.select %and3A_150, %add3A_151, %rem3A_142 : i32
    %dma_wait3A_153 = arith.constant 0 : i32
    %dma_wait3A_154 = tpu.memref_slice %arg4[%select_n3A_136, %select_n3A_152, %dma_wait3A_153] : memref<200x4096x128xf32, #tpu.memory_space<hbm>> -> memref<1x256x64xf32, #tpu.memory_space<hbm>>
    %dma_wait3A_155 = tpu.memref_squeeze %dma_wait3A_154 : memref<1x256x64xf32, #tpu.memory_space<hbm>> -> memref<256x64xf32, #tpu.memory_space<hbm>>
    %dma_wait3A_156 = arith.constant 0 : i32
    %dma_wait3A_157 = tpu.memref_slice %arg4[%select_n3A_136, %select_n3A_152, %dma_wait3A_156] : memref<200x4096x128xf32, #tpu.memory_space<hbm>> -> memref<1x256x64xf32, #tpu.memory_space<hbm>>
    %dma_wait3A_158 = tpu.memref_squeeze %dma_wait3A_157 : memref<1x256x64xf32, #tpu.memory_space<hbm>> -> memref<256x64xf32, #tpu.memory_space<hbm>>
    tpu.wait_dma2 semaphore(%arg18 : memref<!tpu.dma_semaphore, #tpu.memory_space<semaphore_mem>>) src(%arg8 : memref<256x64xf32, #tpu.memory_space<vmem>>) dst(%dma_wait3A_158 : memref<256x64xf32, #tpu.memory_space<hbm>>)
    %add3A_159 = arith.constant 0 : i32
    %add3A_160 = arith.addi %mul3A_2, %add3A_159 : i32
    %jit3A_161 = arith.constant 4096 : i32
    %div3A_162 = arith.divsi %add3A_160, %jit3A_161 : i32
    %sign3A_163 = arith.constant 0 : i32
    %sign3A_164 = arith.cmpi sgt, %add3A_160, %sign3A_163 : i32
    %sign3A_165 = arith.extui %sign3A_164 : i1 to i32
    %sign3A_166 = arith.constant 0 : i32
    %sign3A_167 = arith.cmpi slt, %add3A_160, %sign3A_166 : i32
    %sign3A_168 = arith.extui %sign3A_167 : i1 to i32
    %sign3A_169 = arith.subi %sign3A_165, %sign3A_168 : i32
    %sign3A_170 = arith.constant 0 : i32
    %sign3A_171 = arith.cmpi sgt, %jit3A_161, %sign3A_170 : i32
    %sign3A_172 = arith.extui %sign3A_171 : i1 to i32
    %sign3A_173 = arith.constant 0 : i32
    %sign3A_174 = arith.cmpi slt, %jit3A_161, %sign3A_173 : i32
    %sign3A_175 = arith.extui %sign3A_174 : i1 to i32
    %sign3A_176 = arith.subi %sign3A_172, %sign3A_175 : i32
    %ne3A_177 = arith.cmpi ne, %sign3A_169, %sign3A_176 : i32
    %rem3A_178 = arith.remsi %add3A_160, %jit3A_161 : i32
    %ne3A_179 = arith.constant 0 : i32
    %ne3A_180 = arith.cmpi ne, %rem3A_178, %ne3A_179 : i32
    %and3A_181 = arith.andi %ne3A_177, %ne3A_180 : i1
    %sub3A_182 = arith.constant 1 : i32
    %sub3A_183 = arith.subi %div3A_162, %sub3A_182 : i32
    %select_n3A_184 = arith.select %and3A_181, %sub3A_183, %div3A_162 : i32
    %jit3A_185 = arith.constant 4096 : i32
    %eq3A_186 = arith.constant 0 : i32
    %eq3A_187 = arith.cmpi eq, %jit3A_185, %eq3A_186 : i32
    %jit3A_188 = arith.constant 1 : i32
    %select_n3A_189 = arith.select %eq3A_187, %jit3A_188, %jit3A_185 : i32
    %rem3A_190 = arith.remsi %add3A_160, %select_n3A_189 : i32
    %ne3A_191 = arith.constant 0 : i32
    %ne3A_192 = arith.cmpi ne, %rem3A_190, %ne3A_191 : i32
    %lt3A_193 = arith.constant 0 : i32
    %lt3A_194 = arith.cmpi slt, %rem3A_190, %lt3A_193 : i32
    %lt3A_195 = arith.constant 0 : i32
    %lt3A_196 = arith.cmpi slt, %select_n3A_189, %lt3A_195 : i32
    %ne3A_197 = arith.xori %lt3A_194, %lt3A_196 : i1
    %and3A_198 = arith.andi %ne3A_197, %ne3A_192 : i1
    %add3A_199 = arith.addi %rem3A_190, %select_n3A_189 : i32
    %select_n3A_200 = arith.select %and3A_198, %add3A_199, %rem3A_190 : i32
    %dma_wait3A_201 = arith.constant 0 : i32
    %dma_wait3A_202 = tpu.memref_slice %arg4[%select_n3A_184, %select_n3A_200, %dma_wait3A_201] : memref<200x4096x128xf32, #tpu.memory_space<hbm>> -> memref<1x256x64xf32, #tpu.memory_space<hbm>>
    %dma_wait3A_203 = tpu.memref_squeeze %dma_wait3A_202 : memref<1x256x64xf32, #tpu.memory_space<hbm>> -> memref<256x64xf32, #tpu.memory_space<hbm>>
    %dma_wait3A_204 = arith.constant 0 : i32
    %dma_wait3A_205 = tpu.memref_slice %arg4[%select_n3A_184, %select_n3A_200, %dma_wait3A_204] : memref<200x4096x128xf32, #tpu.memory_space<hbm>> -> memref<1x256x64xf32, #tpu.memory_space<hbm>>
    %dma_wait3A_206 = tpu.memref_squeeze %dma_wait3A_205 : memref<1x256x64xf32, #tpu.memory_space<hbm>> -> memref<256x64xf32, #tpu.memory_space<hbm>>
    tpu.wait_dma2 semaphore(%arg19 : memref<!tpu.dma_semaphore, #tpu.memory_space<semaphore_mem>>) src(%arg9 : memref<256x64xf32, #tpu.memory_space<vmem>>) dst(%dma_wait3A_206 : memref<256x64xf32, #tpu.memory_space<hbm>>)
    %add3A_207 = arith.constant 0 : i32
    %add3A_208 = arith.addi %mul3A_2, %add3A_207 : i32
    %jit3A_209 = arith.constant 4096 : i32
    %div3A_210 = arith.divsi %add3A_208, %jit3A_209 : i32
    %sign3A_211 = arith.constant 0 : i32
    %sign3A_212 = arith.cmpi sgt, %add3A_208, %sign3A_211 : i32
    %sign3A_213 = arith.extui %sign3A_212 : i1 to i32
    %sign3A_214 = arith.constant 0 : i32
    %sign3A_215 = arith.cmpi slt, %add3A_208, %sign3A_214 : i32
    %sign3A_216 = arith.extui %sign3A_215 : i1 to i32
    %sign3A_217 = arith.subi %sign3A_213, %sign3A_216 : i32
    %sign3A_218 = arith.constant 0 : i32
    %sign3A_219 = arith.cmpi sgt, %jit3A_209, %sign3A_218 : i32
    %sign3A_220 = arith.extui %sign3A_219 : i1 to i32
    %sign3A_221 = arith.constant 0 : i32
    %sign3A_222 = arith.cmpi slt, %jit3A_209, %sign3A_221 : i32
    %sign3A_223 = arith.extui %sign3A_222 : i1 to i32
    %sign3A_224 = arith.subi %sign3A_220, %sign3A_223 : i32
    %ne3A_225 = arith.cmpi ne, %sign3A_217, %sign3A_224 : i32
    %rem3A_226 = arith.remsi %add3A_208, %jit3A_209 : i32
    %ne3A_227 = arith.constant 0 : i32
    %ne3A_228 = arith.cmpi ne, %rem3A_226, %ne3A_227 : i32
    %and3A_229 = arith.andi %ne3A_225, %ne3A_228 : i1
    %sub3A_230 = arith.constant 1 : i32
    %sub3A_231 = arith.subi %div3A_210, %sub3A_230 : i32
    %select_n3A_232 = arith.select %and3A_229, %sub3A_231, %div3A_210 : i32
    %jit3A_233 = arith.constant 4096 : i32
    %eq3A_234 = arith.constant 0 : i32
    %eq3A_235 = arith.cmpi eq, %jit3A_233, %eq3A_234 : i32
    %jit3A_236 = arith.constant 1 : i32
    %select_n3A_237 = arith.select %eq3A_235, %jit3A_236, %jit3A_233 : i32
    %rem3A_238 = arith.remsi %add3A_208, %select_n3A_237 : i32
    %ne3A_239 = arith.constant 0 : i32
    %ne3A_240 = arith.cmpi ne, %rem3A_238, %ne3A_239 : i32
    %lt3A_241 = arith.constant 0 : i32
    %lt3A_242 = arith.cmpi slt, %rem3A_238, %lt3A_241 : i32
    %lt3A_243 = arith.constant 0 : i32
    %lt3A_244 = arith.cmpi slt, %select_n3A_237, %lt3A_243 : i32
    %ne3A_245 = arith.xori %lt3A_242, %lt3A_244 : i1
    %and3A_246 = arith.andi %ne3A_245, %ne3A_240 : i1
    %add3A_247 = arith.addi %rem3A_238, %select_n3A_237 : i32
    %select_n3A_248 = arith.select %and3A_246, %add3A_247, %rem3A_238 : i32
    %dma_wait3A_249 = arith.constant 0 : i32
    %dma_wait3A_250 = tpu.memref_slice %arg4[%select_n3A_232, %select_n3A_248, %dma_wait3A_249] : memref<200x4096x128xf32, #tpu.memory_space<hbm>> -> memref<1x256x64xf32, #tpu.memory_space<hbm>>
    %dma_wait3A_251 = tpu.memref_squeeze %dma_wait3A_250 : memref<1x256x64xf32, #tpu.memory_space<hbm>> -> memref<256x64xf32, #tpu.memory_space<hbm>>
    %dma_wait3A_252 = arith.constant 0 : i32
    %dma_wait3A_253 = tpu.memref_slice %arg4[%select_n3A_232, %select_n3A_248, %dma_wait3A_252] : memref<200x4096x128xf32, #tpu.memory_space<hbm>> -> memref<1x256x64xf32, #tpu.memory_space<hbm>>
    %dma_wait3A_254 = tpu.memref_squeeze %dma_wait3A_253 : memref<1x256x64xf32, #tpu.memory_space<hbm>> -> memref<256x64xf32, #tpu.memory_space<hbm>>
    tpu.wait_dma2 semaphore(%arg20 : memref<!tpu.dma_semaphore, #tpu.memory_space<semaphore_mem>>) src(%arg10 : memref<256x64xf32, #tpu.memory_space<vmem>>) dst(%dma_wait3A_254 : memref<256x64xf32, #tpu.memory_space<hbm>>)
    return
  }
}

module attributes {stable_mosaic.version = 14 : i64} {
  func.func @_mask_body(%arg0: memref<200x4096xi32, #tpu.memory_space<vmem>>, %arg1: memref<200x4096xf32, #tpu.memory_space<vmem>>) attributes {dimension_semantics = [], scalar_prefetch = 0 : i64, scratch_operands = 0 : i64, tpu.core_type = #tpu.core_type<tc>} {
    %get3A = arith.constant 0 : index
    %get3A_0 = arith.constant 0 : index
    %get3A_1 = vector.load %arg0[%get3A, %get3A_0] : memref<200x4096xi32, #tpu.memory_space<vmem>>, vector<200x4096xi32>
    %eq3A = arith.constant 0 : i32
    %eq3A_2 = vector.broadcast %eq3A : i32 to vector<200x4096xi32>
    %eq3A_3 = arith.cmpi eq, %get3A_1, %eq3A_2 : vector<200x4096xi32>
    %convert_element_type3A = arith.extui %eq3A_3 : vector<200x4096xi1> to vector<200x4096xi32>
    %convert_element_type3A_4 = arith.sitofp %convert_element_type3A : vector<200x4096xi32> to vector<200x4096xf32>
    %swap3A = arith.constant 0 : index
    %swap3A_5 = arith.constant 0 : index
    %swap3A_6 = vector.load %arg1[%swap3A, %swap3A_5] : memref<200x4096xf32, #tpu.memory_space<vmem>>, vector<200x4096xf32>
    tpu.vector_store %arg1[%swap3A, %swap3A_5], %convert_element_type3A_4 {strides = array<i32>} : memref<200x4096xf32, #tpu.memory_space<vmem>>, vector<200x4096xf32>,
    return
  }
}

</mosaic_0001>

<sc_bundles>
// kernel: kernel.4.cloned.1.call-start
scs
__scs_entry_jumppad:
0x0: {  	(pc) =	sbr.rel $0x88, $3  }
0x1: {  	(tag) =	ssettag $0x0;
	lr =	simm.s32 $0x1  }
0x2: {  	[smem:$0x3F9F] =	sst lr;
	_ =	strace $0xD0000000  }
0x3: {  	_ = 	snop  }
0x4: {  	_ = 	snop  }
0x5: {  	_ = 	snop  }
0x6: {  	_ = 	snop  }
0x7: {  	_ = 	snop  }
__scs_overlays_trampoline_lowered:
0x8: {  	[smem:$0x3FAE] =	sst s0  }
0x9: {  	[smem:$0x3FAF] =	sst s1  }
0xa: {  	[smem:$0x3FB0] =	sst s2  }
0xb: {  	[smem:$0x3FB1] =	sst s3  }
0xc: {  	[smem:$0x3FB2] =	sst s4  }
0xd: {  	[smem:$0x3FB3] =	sst s5  }
0xe: {  	[smem:$0x3FB4] =	sst s6  }
0xf: {  	[smem:$0x3FB5] =	sst s7  }
0x10: {  	[smem:$0x3FB6] =	sst s8  }
0x11: {  	[smem:$0x3FB7] =	sst s9;
	s0 =	simm.s32 @!p0 $0x0  }
0x12: {  	s1 =	sld [smem:$0x3F9D];
	s0 =	simm.s32 @p0 $0x1  }
0x13: {  	[smem:$0x3FB8] =	sst s0;
	s0 =	simm.s32 @!p1 $0x0  }
0x14: {  	s2 =	sld [smem:$0x3F9C];
	s0 =	simm.s32 @p1 $0x1  }
0x15: {  	[smem:$0x3FB9] =	sst s0;
	s0 =	simm.s32 @!p2 $0x0  }
0x16: {  	s3 =	sld [smem:$0x3FDB];
	s0 =	simm.s32 @p2 $0x1  }
0x17: {  	s4 =	simm.s32 $0x1BF5;
	[smem:$0x3FBB] =	sst s0  }
0x18: {  	s0 =	sld [smem:$0x3F9E];
	_ =	swait.ge [sflag:s4], $0x0  }
0x19: {  	s7 =	sld [smem:$0x3F9F]  }
0x1a: {  	s8 =	sadd.s32 $0xFFFFE003, lr  }
0x1b: {  	s9 =	sadd.s32 $0xFFFFFEF7, lr;
	s5 =	simm.s32 $0xFFFFFFFF;
	p2 =	slt.u32 s8, $0xFFFFF086  }
0x1c: {  	p1 =	slt.u32 s9, $0xF7A;
	s5 =	simm.s32 @!p2 $0x0  }
0x1d: {  	s5 =	simm.s32 @p1 $0x1;
	p0 =	seq.s32 s7, s2  }
0x1e: {  	s7 =	smul.u32 @!p0 $0xF7A, s2;
	p2 =	seq.s32 @!p0 s5, $0x0  }
0x1f: {  	s9 =	smul.u32 $0xF7A, s1;
	s8 =	simm.s32 @!p0 $0x1BF5;
	p2 =	por !p2, p0  }
0x20: {  	[sflag:s8] =	ssyncset.s32 @!p0 $0xFFFFF086;
	s6 =	sadd.s32 @!p0 s3, s7;
	s7 =	simm.s32 @!p0 $0x108  }
0x21: {  	s3 =	sadd.s32 s3, s9;
	s6 =	sadd.s32 @!p0 $0x88, s6;
	s7 =	simm.s32 @p2 $0x1082  }
0x22: {  	[simem:s7], [sflag:s8] =	dma.local @!p0 [hbm:s6], $0xF7A  }
0x23: {  	s9 =	sor.u32 $0xD0000000, s2;
	s6 =	simm.s32 $0x108;
	_ =	swait.ge @!p0 [sflag:s8], $0x0  }
0x24: {  	s3 =	sadd.s32 $0x88, s3;
	s6 =	simm.s32 @!p1 $0x1082;
	[sflag:s4] =	ssyncset.s32 $0xFFFFF086  }
0x25: {  	[simem:s6], [sflag:s4] =	dma.local [hbm:s3], $0xF7A  }
0x26: {  	[smem:$0x3F9F] =	sst s1;
	(tag) =	ssettag s2;
	_ =	strace s9  }
0x27: {  	s1 =	sld [smem:$0x3FAF]  }
0x28: {  	s2 =	sld [smem:$0x3FB0]  }
0x29: {  	s4 =	sld [smem:$0x3FB2]  }
0x2a: {  	p0 =	seq.s32 s5, $0x0;
	s5 =	sld [smem:$0x3FB3]  }
0x2b: {  	s6 =	sld [smem:$0x3FB4]  }
0x2c: {  	s7 =	sld [smem:$0x3FB5]  }
0x2d: {  	s3 =	simm.s32 $0x108;
	s8 =	sld [smem:$0x3FB6]  }
0x2e: {  	s3 =	simm.s32 @!p0 $0x1082;
	s9 =	sld [smem:$0x3FB7]  }
0x2f: {  	lr =	sadd.s32 s0, s3;
	s0 =	sld [smem:$0x3FAE]  }
0x30: {  	s3 =	sld [smem:$0x3FB1]  }
0x31: {  	[smem:$0x3FBA] =	sst s10  }
0x32: {  	s10 =	sld [smem:$0x3FB8];
	_ =	sdelay $0x3  }
0x33: {  	p0 =	seq.s32 s10, $0x1;
	s10 =	sld [smem:$0x3FBA];
	_ =	sdelay $0x3  }
0x34: {  	[smem:$0x3FBA] =	sst s10  }
0x35: {  	s10 =	sld [smem:$0x3FB9];
	_ =	sdelay $0x3  }
0x36: {  	p1 =	seq.s32 s10, $0x1;
	s10 =	sld [smem:$0x3FBA];
	_ =	sdelay $0x3  }
0x37: {  	[smem:$0x3FBA] =	sst s10  }
0x38: {  	s10 =	sld [smem:$0x3FBB]  }
0x39: {  	_ = 	snop;
	(pc) =	sbr.ind lr, $3  }
0x3a: {  	_ = 	snop  }
0x3b: {  	_ = 	snop  }
0x3c: {  	p2 =	seq.s32 s10, $0x1;
	s10 =	sld [smem:$0x3FBA]  }
0x3d: {  	_ =	shalt  }
0x3e: {  	_ =	shalt  }
0x3f: {  	_ =	shalt  }
0x40: {  	_ =	shalt  }
0x41: {  	_ =	shalt  }
0x42: {  	_ =	shalt  }
0x43: {  	_ =	shalt  }
0x44: {  	_ =	shalt  }
0x45: {  	_ =	shalt  }
0x46: {  	_ =	shalt  }
0x47: {  	_ =	shalt  }
0x48: {  	_ =	shalt  }
0x49: {  	_ =	shalt  }
0x4a: {  	_ =	shalt  }
0x4b: {  	_ =	shalt  }
0x4c: {  	_ =	shalt  }
0x4d: {  	_ =	shalt  }
0x4e: {  	_ =	shalt  }
0x4f: {  	_ =	shalt  }
0x50: {  	_ =	shalt  }
0x51: {  	_ =	shalt  }
0x52: {  	_ =	shalt  }
0x53: {  	_ =	shalt  }
0x54: {  	_ =	shalt  }
0x55: {  	_ =	shalt  }
0x56: {  	_ =	shalt  }
0x57: {  	_ =	shalt  }
0x58: {  	_ =	shalt  }
0x59: {  	_ =	shalt  }
0x5a: {  	_ =	shalt  }
0x5b: {  	_ =	shalt  }
0x5c: {  	_ =	shalt  }
0x5d: {  	_ =	shalt  }
0x5e: {  	_ =	shalt  }
0x5f: {  	_ =	shalt  }
0x60: {  	_ =	shalt  }
0x61: {  	_ =	shalt  }
0x62: {  	_ =	shalt  }
0x63: {  	_ =	shalt  }
0x64: {  	_ =	shalt  }
0x65: {  	_ =	shalt  }
0x66: {  	_ =	shalt  }
0x67: {  	_ =	shalt  }
0x68: {  	_ =	shalt  }
0x69: {  	_ =	shalt  }
0x6a: {  	_ =	shalt  }
0x6b: {  	_ =	shalt  }
0x6c: {  	_ =	shalt  }
0x6d: {  	_ =	shalt  }
0x6e: {  	_ =	shalt  }
0x6f: {  	_ =	shalt  }
0x70: {  	_ =	shalt  }
0x71: {  	_ =	shalt  }
0x72: {  	_ =	shalt  }
0x73: {  	_ =	shalt  }
0x74: {  	_ =	shalt  }
0x75: {  	_ =	shalt  }
0x76: {  	_ =	shalt  }
0x77: {  	_ =	shalt  }
0x78: {  	_ =	shalt  }
0x79: {  	_ =	shalt  }
0x7a: {  	_ =	shalt  }
0x7b: {  	_ =	shalt  }
0x7c: {  	_ =	shalt  }
0x7d: {  	_ =	shalt  }
0x7e: {  	_ =	shalt  }
0x7f: {  	_ =	shalt  }
0x80: {  	_ =	shalt  }
0x81: {  	_ =	shalt  }
0x82: {  	_ =	shalt  }
0x83: {  	_ =	shalt  }
0x84: {  	_ =	shalt  }
0x85: {  	_ =	shalt  }
0x86: {  	_ =	shalt  }
0x87: {  	_ =	shalt  }
.Lfunc_end0:
.L_simem_size_0:
called_computation.1_lowered:
.L_overlay_start_0:
0x88: {  	s2 =	sld [smem:$0x3FD9]  }
0x89: {  	s3 =	sld [smem:$0x3FFE];
	_ =	sdelay $0x1  }
0x8a: {  	s1 =	srdreg.scid  }
0x8b: {  	s0 =	sand.u32 $0x1, s1  }
0x8c: {  	s14 =	sshll.u32 s0, $0xA;
	s2 =	sadd.s32 s3, s2  }
0x8d: {  	s2 =	sadd.s32 s2, s14  }
0x8e: {  	[smem:$0x3FC6] =	sst s2  }
0x8f: {  	_ = 	snop  }
0x90: {  	s2 =	sld [smem:$0x3FD0];
	_ =	sdelay $0x2  }
0x91: {  	s15 =	simm.s32 $0xA;
	s4 =	simm.s32 $0x10  }
0x92: {  	[smem:s4], [sflag:s15] =	dma.local [hbm:s2], $0x1  }
0x93: {  	_ =	swait.eq [sflag:s15], $0x1  }
0x94: {  	[sflag:s15] =	ssyncset.done $0x0  }
0x95: {  	[sflag:s15] =	ssyncadd.s32 $0xFFFFFFFF  }
0x96: {  	s16 =	sld [smem:$0x11];
	(tm) =	ssettm $0x1  }
0x97: {  	s17 =	sld [smem:$0x3FFB];
	_ =	sdelay $0x3  }
0x98: {  	_ =	strace s17  }
0x99: {  	s3 =	sld [smem:$0x3FFC];
	_ =	sdelay $0x3  }
0x9a: {  	_ =	strace s3  }
0x9b: {  	s3 =	sld [smem:$0x3FFD];
	_ =	sdelay $0x3  }
0x9c: {  	_ =	strace s3  }
0x9d: {  	_ =	strace $0x8FFFFFFF  }
0x9e: {  	s18 =	sld [smem:$0x3FDB];
	_ =	sdelay $0x1  }
0x9f: {  	s19 =	simm.s32 $_scs_section_size  }
0xa0: {  	s5 =	simm.s32 $_size__tile_overlayer_lowered;
	s6 =	simm.s32 $_tile_overlayer_lowered  }
0xa1: {  	s22 =	simm.s32 $0x1BFF;
	s21 =	sshll.u32 s6, $0x1;
	s3 =	sadd.s32 s19, s18  }
0xa2: {  	s7 =	simm.s32 $0x0;
	s20 =	sshll.u32 s5, $0x1;
	s5 =	sadd.s32 s21, s3  }
0xa3: {  	[timem:s7], [sflag:s22] =	dma.local [hbm:s5], s20  }
0xa4: {  	_ =	swait.ge [sflag:s22], s20  }
0xa5: {  	s4 =	ssub.s32 $0x0, s20;
	[sflag:s22] =	ssyncset.done $0x0  }
0xa6: {  	[sflag:s22] =	ssyncadd.s32 s4;
	_ =	sdelay $0x1  }
0xa7: {  	s23 =	simm.s32 $0x1B8B  }
0xa8: {  	_ =	swait.ge [sflag:s23], $0x1  }
0xa9: {  	[sflag:s23] =	ssyncset.done $0x0  }
0xaa: {  	s25 =	simm.s32 $0x1B8E;
	s24 =	sld [smem:$0x3FFE];
	[sflag:s23] =	ssyncadd.s32 $0xFFFFFFFF  }
0xab: {  	s26 =	simm.s32 $execute0_lowered;
	[smem:$0x3FD2] =	sst s25  }
0xac: {  	s5 =	sshll.u32 s26, $0x1;
	_ =	strace $0x80000046;
	[dreg:$0x1] =	wrdreg $0xFFFFFFFF  }
0xad: {  	s28 =	simm.s32 $_size_execute0_lowered;
	s3 =	sadd.s32 s3, s5;
	[dreg:$0x0] =	wrdreg $0x0  }
0xae: {  	s5 =	sshll.u32 s28, $0x1;
	[dreg:$0x2] =	wrdreg s3  }
0xaf: {  	[dreg:$0x3] =	wrdreg s5  }
0xb0: {  	[dreg:$0x4] =	wrdreg $0xC0  }
0xb1: {  	_ =	task [dreg:s7], $0x5FFFF  }
0xb2: {  	[dreg:$0x1] =	wrdreg $0xFFFFFFFF  }
0xb3: {  	[dreg:$0x0] =	wrdreg $0x60  }
0xb4: {  	[dreg:$0x2] =	wrdreg s24  }
0xb5: {  	[dreg:$0x3] =	wrdreg s16  }
0xb6: {  	[dreg:$0x4] =	wrdreg $0x9  }
0xb7: {  	_ =	task.clear_ibuf [dreg:s7], $0x5FFFF;
	_ =	strace $0x90000046  }
0xb8: {  	s29 =	simm.s32 $0x9;
	_ =	strace $0x80000048  }
0xb9: {  	_ =	swait.ge [sflag:s29], $0x1  }
0xba: {  	[sflag:s29] =	ssyncadd.s32 $0xFFFFFFFF  }
0xbb: {  	_ =	strace $0x90000048  }
0xbc: {  	_ =	sfence  }
0xbd: {  	s30 =	sld [smem:$0x0];
	_ =	sdelay $0x2  }
0xbe: {  	s31 =	sshll.u32 s1, $0xD;
	s1 =	sshrl.u32 s1, $0x2  }
0xbf: {  	s3 =	sand.u32 $0x4000, s31;
	s1 =	sadd.s32 s1, s30  }
0xc0: {  	s0 =	sor.u32 s3, s0;
	s1 =	sshll.u32 s1, $0x11  }
0xc1: {  	s0 =	sor.u32 s1, s0  }
0xc2: {  	s0 =	sadd.s32 $0x8F2B, s0  }
0xc3: {  	[sflag:s0] =	ssyncadd.remote.s32 $0x1  }
0xc4: {  	_ =	sfence.sel $0xFFFF  }
0xc5: {  	[dreg:$0x0] =	wrdreg $0xFFFFFFFF;
	(pc) =	sbr.abs _section_cstart, $3  }
0xc6: {  	[dreg:$0x1] =	wrdreg $0xFFFFFFFF  }
0xc7: {  	_ =	task.clear_ibuf [dreg:s7], $0x2FFFF;
	_ =	strace $0x9FFFFFFF  }
0xc8: {  	(tm) =	ssettm $0x7FFFFFFF  }
0xc9: {  	_ =	shalt  }
tec
execute0_lowered:
.L_overlay_start_1:
0x0: {  	(tag) =	ssettag $0x1  }
0x1: {  	s0 =	srdreg.scid;
	s1 =	rddreg [dreg:$0x0]  }
0x2: {  	s9 =	stileid.u32;
	s4 =	rddreg [dreg:$0x1];
	s3 =	simm.s32 $0x0  }
0x3: {  	s11 =	simm.s32 $0x100;
	s12 =	simm.s32 $0x6400;
	s13 =	simm.s32 $0xA400  }
0x4: {  	s15 =	simm.s32 $0xE400;
	s17 =	simm.s32 $0x12400;
	s18 =	simm.s32 $0x16400  }
0x5: {  	s19 =	simm.s32 $0x1;
	s20 =	simm.s32 $0x40;
	s21 =	simm.s32 $0x80  }
0x6: {  	s22 =	simm.s32 $0x2;
	s23 =	simm.s32 $0x3;
	s24 =	simm.s32 $0x4  }
0x7: {  	s0 =	sand.u32 $0x1, s0;
	s2 =	sshll.u32 s9, $0x1;
	s5 =	smul.u32 $0xC800, s9  }
0x8: {  	s25 =	simm.s32 $0x5;
	s2 =	sor.u32 s0, s2;
	s7 =	smul.u32 $0x6400, s0  }
0x9: {  	[smem:$0x7FF] =	sst s3;
	s3 =	sadd.s32 $0xF43000, s1;
	s2 =	smul.u32 $0x6400, s2  }
0xa: {  	s1 =	sadd.s32 $0xC00, s1;
	_ =	strace $0x80000047;
	s6 =	ssub.s32 $0x2, s0  }
0xb: {  	s8 =	sshrl.u32 s6, $0x1;
	s5 =	sadd.s32 s7, s5;
	s2 =	sshrl.u32 s2, $0x3  }
0xc: {  	s6 =	ssub.s32 s6, s8;
	s26 =	sshll.u32 s5, $0x4;
	s2 =	sadd.s32 s4, s2  }
0xd: {  	s29 =	smax.u32 s6, $0x1;
	[dreg:$0x3] =	wrdreg s2;
	s2 =	sadd.s32 s26, s1  }
0xe: {  	s28 =	smul.u32 $0xC8000, s9;
	[dreg:$0x4] =	wrdreg s29;
	s30 =	sadd.s32 $0x3000, s2  }
0xf: {  	s0 =	smul.u32 $0x64000, s0;
	s31 =	sadd.s32 $0x2000, s2;
	[dreg:$0x5] =	wrdreg s30  }
0x10: {  	s1 =	sadd.s32 s28, s1;
	s2 =	sadd.s32 $0x1000, s2;
	[dreg:$0x6] =	wrdreg s31  }
0x11: {  	s9 =	sadd.s32 s0, s1;
	s1 =	simm.s32 $0x0;
	[dreg:$0x7] =	wrdreg s2  }
.LBB2_1:
0x12: {  	s0 =	simm.s32 $0x0;
	s2 =	rddreg [dreg:$0x3];
	s26 =	simm.s32 $0xB  }
0x13: {  	[tilespmem:s0], [sflag:$0xB] =	stream.linear.gather [hbm4b:s2+s0], $0x6400, $0x38;
	[tilespmem:$0x1A400] =	vst v63  }
0x14: {  	_ =	swait.ge [sflag:s26], $0x6400  }
0x15: {  	[sflag:s26] =	ssyncset.done $0x0  }
0x16: {  	[sflag:s26] =	ssyncadd.s32 $0xFFFF9C00  }
0x17: {  	[tilespmem:s12], [sflag:$0x1] =	stream.indirect.gather [hbm4b:s3+s11], $0x40, s0, s11, $0xb8;
	[tilespmem:$0x1A400] =	vst v63  }
0x18: {  	_ = 	snop  }
0x19: {  	[tilespmem:s13], [sflag:$0x2] =	stream.indirect.gather [hbm4b:s3+s11], $0x40, s11, s11, $0xb8;
	[tilespmem:$0x1A400] =	vst v63  }
0x1a: {  	s29 =	simm.s32 $0x200;
	p0 =	por $0x1, $0x1  }
0x1b: {  	[tilespmem:s15], [sflag:$0x3] =	stream.indirect.gather [hbm4b:s3+s11], $0x40, s29, s11, $0xb8;
	[tilespmem:$0x1A400] =	vst v63  }
0x1c: {  	s30 =	simm.s32 $0x300;
	s0 =	simm.s32 @!p0 $0xA  }
0x1d: {  	[tilespmem:s17], [sflag:$0x4] =	stream.indirect.gather [hbm4b:s3+s11], $0x40, s30, s11, $0xb8;
	[tilespmem:$0x1A400] =	vst v63  }
0x1e: {  	_ =	swait.ge @!p0 [sflag:s0], $0x4000  }
0x1f: {  	[sflag:s0] =	ssyncset.done @!p0 $0x0  }
0x20: {  	s31 =	simm.s32 $0x400;
	[sflag:s0] =	ssyncadd.s32 @!p0 $0xFFFFC000  }
0x21: {  	[tilespmem:s18], [sflag:$0x5] =	stream.indirect.gather [hbm4b:s3+s11], $0x40, s31, s11, $0xb8;
	[tilespmem:$0x1A400] =	vst v63  }
0x22: {  	_ =	swait.ge [sflag:s19], $0x4000  }
0x23: {  	p0 =	por $0x0, $0x0;
	[sflag:s19] =	ssyncset.done $0x0  }
0x24: {  	s0 =	simm.s32 @!p0 $0x6;
	[sflag:s19] =	ssyncadd.s32 $0xFFFFC000  }
0x25: {  	[hbm4b:s9+s20] =	stream.strided.scatter [tilespmem:s12], [sflag:$0x6], $0x4000, s21, s20, $0x38;
	[tilespmem:$0x1A400] =	vst v63  }
0x26: {  	_ =	swait.ge @!p0 [sflag:s0], $0x4000  }
0x27: {  	s2 =	simm.s32 @!p0 $0x500;
	[sflag:s0] =	ssyncset.done @!p0 $0x0  }
0x28: {  	s14 =	simm.s32 @!p0 $0x100;
	s4 =	simm.s32 @!p0 $0x6400;
	[sflag:s0] =	ssyncadd.s32 @!p0 $0xFFFFC000  }
0x29: {  	[tilespmem:s4], [sflag:$0x1] =	stream.indirect.gather @!p0 [hbm4b:s3+s14], $0x40, s2, s14, $0xb8;
	[tilespmem:$0x1A400] =	vst v63  }
0x2a: {  	_ =	swait.ge [sflag:s22], $0x4000  }
0x2b: {  	[sflag:s22] =	ssyncset.done $0x0  }
0x2c: {  	s0 =	simm.s32 @!p0 $0x7;
	s8 =	rddreg [dreg:$0x7];
	[sflag:s22] =	ssyncadd.s32 $0xFFFFC000  }
0x2d: {  	[hbm4b:s8+s20] =	stream.strided.scatter [tilespmem:s13], [sflag:$0x7], $0x4000, s21, s20, $0x38;
	[tilespmem:$0x1A400] =	vst v63  }
0x2e: {  	_ =	swait.ge @!p0 [sflag:s0], $0x4000  }
0x2f: {  	[sflag:s0] =	ssyncset.done @!p0 $0x0  }
0x30: {  	s2 =	simm.s32 @!p0 $0x600;
	s4 =	simm.s32 @!p0 $0xA400;
	[sflag:s0] =	ssyncadd.s32 @!p0 $0xFFFFC000  }
0x31: {  	[tilespmem:s4], [sflag:$0x2] =	stream.indirect.gather @!p0 [hbm4b:s3+s14], $0x40, s2, s14, $0xb8;
	[tilespmem:$0x1A400] =	vst v63  }
0x32: {  	_ =	swait.ge [sflag:s23], $0x4000  }
0x33: {  	[sflag:s23] =	ssyncset.done $0x0  }
0x34: {  	s0 =	simm.s32 @!p0 $0x8;
	s7 =	rddreg [dreg:$0x6];
	[sflag:s23] =	ssyncadd.s32 $0xFFFFC000  }
0x35: {  	[hbm4b:s7+s20] =	stream.strided.scatter [tilespmem:s15], [sflag:$0x8], $0x4000, s21, s20, $0x38;
	[tilespmem:$0x1A400] =	vst v63  }
0x36: {  	_ =	swait.ge @!p0 [sflag:s0], $0x4000  }
0x37: {  	[sflag:s0] =	ssyncset.done @!p0 $0x0  }
0x38: {  	s2 =	simm.s32 @!p0 $0x700;
	s4 =	simm.s32 @!p0 $0xE400;
	[sflag:s0] =	ssyncadd.s32 @!p0 $0xFFFFC000  }
0x39: {  	[tilespmem:s4], [sflag:$0x3] =	stream.indirect.gather @!p0 [hbm4b:s3+s14], $0x40, s2, s14, $0xb8;
	[tilespmem:$0x1A400] =	vst v63  }
0x3a: {  	_ =	swait.ge [sflag:s24], $0x4000  }
0x3b: {  	s5 =	sadd.s32 $0x4000, s9;
	[sflag:s24] =	ssyncset.done $0x0  }
0x3c: {  	s2 =	simm.s32 @!p0 $0x9;
	s6 =	rddreg [dreg:$0x5];
	[sflag:s24] =	ssyncadd.s32 $0xFFFFC000  }
0x3d: {  	[hbm4b:s6+s20] =	stream.strided.scatter [tilespmem:s17], [sflag:$0x9], $0x4000, s21, s20, $0x38;
	[tilespmem:$0x1A400] =	vst v63  }
0x3e: {  	s10 =	sadd.s32 $0x5000, s9;
	p1 =	por $0x0, $0x0;
	_ =	swait.ge @!p0 [sflag:s2], $0x4000  }
0x3f: {  	s26 =	simm.s32 $0x2800;
	s16 =	simm.s32 @!p0 $0x800;
	[sflag:s2] =	ssyncset.done @!p0 $0x0  }
0x40: {  	s28 =	simm.s32 @!p0 $0x12400;
	s0 =	sadd.s32 $0x4000, s10;
	[sflag:s2] =	ssyncadd.s32 @!p0 $0xFFFFC000  }
0x41: {  	[tilespmem:s28], [sflag:$0x4] =	stream.indirect.gather @!p0 [hbm4b:s3+s14], $0x40, s16, s14, $0xb8;
	[tilespmem:$0x1A400] =	vst v63  }
0x42: {  	s4 =	simm.s32 $0x1400;
	s2 =	sadd.s32 $0x5000, s8;
	s28 =	sadd.s32 $0x5000, s10  }
0x43: {  	s16 =	sadd.s32 $0x5000, s7;
	s14 =	sadd.s32 $0x5000, s6;
	_ =	swait.ge [sflag:s25], $0x4000  }
.LBB2_2:
0x44: {  	s29 =	simm.s32 @!p1 $0xA  }
0x45: {  	[sflag:s25] =	ssyncset.done $0x0;
	s30 =	smov.u32 s26;
	s26 =	sadd.s32 $0x1400, s26  }
0x46: {  	s31 =	sadd.s32 $0x4000, s28;
	p0 =	sne.s32 s26, $0x19000;
	[sflag:s25] =	ssyncadd.s32 $0xFFFFC000  }
0x47: {  	[hbm4b:s5+s20] =	stream.strided.scatter [tilespmem:s18], [sflag:$0xA], $0x4000, s21, s20, $0x38;
	[tilespmem:$0x1A400] =	vst v63  }
0x48: {  	s6 =	sshra.s32 s4, $0x2;
	s5 =	smov.u32 s0;
	_ =	swait.ge @!p1 [sflag:s29], $0x4000  }
0x49: {  	s6 =	sadd.s32 $0x400, s6;
	s0 =	smov.u32 s31;
	[sflag:s29] =	ssyncset.done @!p1 $0x0  }
0x4a: {  	[sflag:s29] =	ssyncadd.s32 @!p1 $0xFFFFC000  }
0x4b: {  	[tilespmem:s18], [sflag:$0x5] =	stream.indirect.gather [hbm4b:s3+s11], $0x40, s6, s11, $0xb8;
	[tilespmem:$0x1A400] =	vst v63  }
0x4c: {  	_ =	swait.ge [sflag:s19], $0x4000  }
0x4d: {  	p1 =	seq.s32 s4, $0x17C00;
	[sflag:s19] =	ssyncset.done $0x0  }
0x4e: {  	s6 =	simm.s32 @!p1 $0x6;
	s4 =	sshra.s32 @!p1 s4, $0x2;
	[sflag:s19] =	ssyncadd.s32 $0xFFFFC000  }
0x4f: {  	[hbm4b:s10+s20] =	stream.strided.scatter [tilespmem:s12], [sflag:$0x6], $0x4000, s21, s20, $0x38;
	[tilespmem:$0x1A400] =	vst v63  }
0x50: {  	s31 =	sadd.s32 @!p1 $0x600, s4;
	s10 =	sadd.s32 @!p1 $0x500, s4;
	_ =	swait.ge @!p1 [sflag:s6], $0x4000  }
0x51: {  	s29 =	simm.s32 @!p1 $0x100;
	s7 =	simm.s32 @!p1 $0x6400;
	[sflag:s6] =	ssyncset.done @!p1 $0x0  }
0x52: {  	s8 =	sadd.s32 @!p1 $0x800, s4;
	[sflag:s6] =	ssyncadd.s32 @!p1 $0xFFFFC000;
	s6 =	sadd.s32 @!p1 $0x700, s4  }
0x53: {  	[tilespmem:s7], [sflag:$0x1] =	stream.indirect.gather @!p1 [hbm4b:s3+s29], $0x40, s10, s29, $0xb8;
	[tilespmem:$0x1A400] =	vst v63  }
0x54: {  	s4 =	smov.u32 s30;
	s10 =	smov.u32 s28;
	_ =	swait.ge [sflag:s22], $0x4000  }
0x55: {  	[sflag:s22] =	ssyncset.done $0x0  }
0x56: {  	s7 =	simm.s32 @!p1 $0x7;
	[sflag:s22] =	ssyncadd.s32 $0xFFFFC000  }
0x57: {  	[hbm4b:s2+s20] =	stream.strided.scatter [tilespmem:s13], [sflag:$0x7], $0x4000, s21, s20, $0x38;
	[tilespmem:$0x1A400] =	vst v63  }
0x58: {  	_ =	swait.ge @!p1 [sflag:s7], $0x4000  }
0x59: {  	s30 =	simm.s32 @!p1 $0xA400;
	[sflag:s7] =	ssyncset.done @!p1 $0x0  }
0x5a: {  	[sflag:s7] =	ssyncadd.s32 @!p1 $0xFFFFC000  }
0x5b: {  	[tilespmem:s30], [sflag:$0x2] =	stream.indirect.gather @!p1 [hbm4b:s3+s29], $0x40, s31, s29, $0xb8;
	[tilespmem:$0x1A400] =	vst v63  }
0x5c: {  	_ =	swait.ge [sflag:s23], $0x4000  }
0x5d: {  	[sflag:s23] =	ssyncset.done $0x0  }
0x5e: {  	s7 =	simm.s32 @!p1 $0x8;
	[sflag:s23] =	ssyncadd.s32 $0xFFFFC000  }
0x5f: {  	[hbm4b:s16+s20] =	stream.strided.scatter [tilespmem:s15], [sflag:$0x8], $0x4000, s21, s20, $0x38;
	[tilespmem:$0x1A400] =	vst v63  }
0x60: {  	_ =	swait.ge @!p1 [sflag:s7], $0x4000  }
0x61: {  	s30 =	simm.s32 @!p1 $0xE400;
	[sflag:s7] =	ssyncset.done @!p1 $0x0  }
0x62: {  	[sflag:s7] =	ssyncadd.s32 @!p1 $0xFFFFC000  }
0x63: {  	[tilespmem:s30], [sflag:$0x3] =	stream.indirect.gather @!p1 [hbm4b:s3+s29], $0x40, s6, s29, $0xb8;
	[tilespmem:$0x1A400] =	vst v63  }
0x64: {  	_ =	swait.ge [sflag:s24], $0x4000  }
0x65: {  	[sflag:s24] =	ssyncset.done $0x0  }
0x66: {  	s6 =	simm.s32 @!p1 $0x9;
	[sflag:s24] =	ssyncadd.s32 $0xFFFFC000  }
0x67: {  	[hbm4b:s14+s20] =	stream.strided.scatter [tilespmem:s17], [sflag:$0x9], $0x4000, s21, s20, $0x38;
	[tilespmem:$0x1A400] =	vst v63  }
.Ltmp0:
0x68: {  	_ =	swait.ge @!p1 [sflag:s6], $0x4000;
	(pc) =	sbr.rel @p0 .LBB2_2-.Ltmp0, $4  }
0x69: {  	s2 =	sadd.s32 $0x5000, s2;
	s7 =	simm.s32 @!p1 $0x12400;
	[sflag:s6] =	ssyncset.done @!p1 $0x0  }
0x6a: {  	s28 =	sadd.s32 $0x5000, s28;
	s16 =	sadd.s32 $0x5000, s16;
	[sflag:s6] =	ssyncadd.s32 @!p1 $0xFFFFC000  }
0x6b: {  	[tilespmem:s7], [sflag:$0x4] =	stream.indirect.gather @!p1 [hbm4b:s3+s29], $0x40, s8, s29, $0xb8;
	[tilespmem:$0x1A400] =	vst v63  }
0x6c: {  	s14 =	sadd.s32 $0x5000, s14;
	p1 =	seq.s32 s4, $0x0;
	_ =	swait.ge [sflag:s25], $0x4000  }
0x6d: {  	[sflag:s25] =	ssyncset.done $0x0  }
0x6e: {  	s6 =	simm.s32 @!p1 $0xA;
	[sflag:s25] =	ssyncadd.s32 $0xFFFFC000  }
0x6f: {  	[hbm4b:s5+s20] =	stream.strided.scatter [tilespmem:s18], [sflag:$0xA], $0x4000, s21, s20, $0x38;
	[tilespmem:$0x1A400] =	vst v63  }
0x70: {  	_ =	swait.ge @!p1 [sflag:s6], $0x4000  }
0x71: {  	s8 =	sshra.s32 s4, $0x2;
	[sflag:s6] =	ssyncset.done @!p1 $0x0  }
0x72: {  	s5 =	sadd.s32 $0x400, s8;
	[sflag:s6] =	ssyncadd.s32 @!p1 $0xFFFFC000  }
0x73: {  	[tilespmem:s18], [sflag:$0x5] =	stream.indirect.gather [hbm4b:s3+s11], $0x40, s5, s11, $0xb8;
	[tilespmem:$0x1A400] =	vst v63  }
0x74: {  	_ =	swait.ge [sflag:s19], $0x4000  }
0x75: {  	p0 =	seq.s32 s4, $0x17C00;
	[sflag:s19] =	ssyncset.done $0x0  }
0x76: {  	s5 =	simm.s32 @!p0 $0x6;
	[sflag:s19] =	ssyncadd.s32 $0xFFFFC000  }
0x77: {  	[hbm4b:s10+s20] =	stream.strided.scatter [tilespmem:s12], [sflag:$0x6], $0x4000, s21, s20, $0x38;
	[tilespmem:$0x1A400] =	vst v63  }
0x78: {  	_ =	swait.ge @!p0 [sflag:s5], $0x4000  }
0x79: {  	s4 =	sshra.s32 @!p0 s4, $0x2;
	s7 =	simm.s32 @!p0 $0x100;
	[sflag:s5] =	ssyncset.done @!p0 $0x0  }
0x7a: {  	s6 =	sadd.s32 @!p0 $0x500, s4;
	[sflag:s5] =	ssyncadd.s32 @!p0 $0xFFFFC000;
	s5 =	simm.s32 @!p0 $0x6400  }
0x7b: {  	[tilespmem:s5], [sflag:$0x1] =	stream.indirect.gather @!p0 [hbm4b:s3+s7], $0x40, s6, s7, $0xb8;
	[tilespmem:$0x1A400] =	vst v63  }
0x7c: {  	_ =	swait.ge [sflag:s22], $0x4000  }
0x7d: {  	[sflag:s22] =	ssyncset.done $0x0  }
0x7e: {  	s5 =	simm.s32 @!p0 $0x7;
	[sflag:s22] =	ssyncadd.s32 $0xFFFFC000  }
0x7f: {  	[hbm4b:s2+s20] =	stream.strided.scatter [tilespmem:s13], [sflag:$0x7], $0x4000, s21, s20, $0x38;
	[tilespmem:$0x1A400] =	vst v63  }
0x80: {  	_ =	swait.ge @!p0 [sflag:s5], $0x4000  }
0x81: {  	[sflag:s5] =	ssyncset.done @!p0 $0x0  }
0x82: {  	s2 =	sadd.s32 @!p0 $0x600, s4;
	[sflag:s5] =	ssyncadd.s32 @!p0 $0xFFFFC000;
	s5 =	simm.s32 @!p0 $0xA400  }
0x83: {  	[tilespmem:s5], [sflag:$0x2] =	stream.indirect.gather @!p0 [hbm4b:s3+s7], $0x40, s2, s7, $0xb8;
	[tilespmem:$0x1A400] =	vst v63  }
0x84: {  	_ =	swait.ge [sflag:s23], $0x4000  }
0x85: {  	[sflag:s23] =	ssyncset.done $0x0  }
0x86: {  	s2 =	simm.s32 @!p0 $0x8;
	[sflag:s23] =	ssyncadd.s32 $0xFFFFC000  }
0x87: {  	[hbm4b:s16+s20] =	stream.strided.scatter [tilespmem:s15], [sflag:$0x8], $0x4000, s21, s20, $0x38;
	[tilespmem:$0x1A400] =	vst v63  }
0x88: {  	_ =	swait.ge @!p0 [sflag:s2], $0x4000  }
0x89: {  	[sflag:s2] =	ssyncset.done @!p0 $0x0  }
0x8a: {  	s5 =	sadd.s32 @!p0 $0x700, s4;
	[sflag:s2] =	ssyncadd.s32 @!p0 $0xFFFFC000;
	s2 =	simm.s32 @!p0 $0xE400  }
0x8b: {  	[tilespmem:s2], [sflag:$0x3] =	stream.indirect.gather @!p0 [hbm4b:s3+s7], $0x40, s5, s7, $0xb8;
	[tilespmem:$0x1A400] =	vst v63  }
0x8c: {  	_ =	swait.ge [sflag:s24], $0x4000  }
0x8d: {  	[sflag:s24] =	ssyncset.done $0x0  }
0x8e: {  	s2 =	simm.s32 @!p0 $0x9;
	[sflag:s24] =	ssyncadd.s32 $0xFFFFC000  }
0x8f: {  	[hbm4b:s14+s20] =	stream.strided.scatter [tilespmem:s17], [sflag:$0x9], $0x4000, s21, s20, $0x38;
	[tilespmem:$0x1A400] =	vst v63  }
0x90: {  	_ =	swait.ge @!p0 [sflag:s2], $0x4000  }
0x91: {  	[sflag:s2] =	ssyncset.done @!p0 $0x0  }
0x92: {  	s4 =	sadd.s32 @!p0 $0x800, s4;
	[sflag:s2] =	ssyncadd.s32 @!p0 $0xFFFFC000;
	s2 =	simm.s32 @!p0 $0x12400  }
0x93: {  	[tilespmem:s2], [sflag:$0x4] =	stream.indirect.gather @!p0 [hbm4b:s3+s7], $0x40, s4, s7, $0xb8;
	[tilespmem:$0x1A400] =	vst v63  }
0x94: {  	_ =	swait.ge [sflag:s25], $0x4000  }
0x95: {  	[sflag:s25] =	ssyncset.done $0x0  }
0x96: {  	s16 =	simm.s32 $0x6;
	[sflag:s25] =	ssyncadd.s32 $0xFFFFC000  }
0x97: {  	[hbm4b:s0+s20] =	stream.strided.scatter [tilespmem:s18], [sflag:$0xA], $0x4000, s21, s20, $0x38;
	[tilespmem:$0x1A400] =	vst v63  }
0x98: {  	_ =	swait.ge [sflag:s16], $0x4000  }
0x99: {  	[sflag:s16] =	ssyncset.done $0x0  }
0x9a: {  	s26 =	simm.s32 $0x7;
	[sflag:s16] =	ssyncadd.s32 $0xFFFFC000  }
0x9b: {  	_ =	swait.ge [sflag:s26], $0x4000  }
0x9c: {  	[sflag:s26] =	ssyncset.done $0x0  }
0x9d: {  	s28 =	simm.s32 $0x8;
	[sflag:s26] =	ssyncadd.s32 $0xFFFFC000  }
0x9e: {  	_ =	swait.ge [sflag:s28], $0x4000  }
0x9f: {  	[sflag:s28] =	ssyncset.done $0x0  }
0xa0: {  	s29 =	simm.s32 $0x9;
	[sflag:s28] =	ssyncadd.s32 $0xFFFFC000  }
0xa1: {  	_ =	swait.ge [sflag:s29], $0x4000  }
0xa2: {  	[sflag:s29] =	ssyncset.done $0x0  }
0xa3: {  	s30 =	simm.s32 $0xA;
	[sflag:s29] =	ssyncadd.s32 $0xFFFFC000  }
0xa4: {  	_ =	swait.ge [sflag:s30], $0x4000  }
0xa5: {  	s1 =	sadd.s32 $0x1, s1;
	s31 =	rddreg [dreg:$0x4]  }
0xa6: {  	p0 =	sne.s32 s1, s31  }
.Ltmp1:
0xa7: {  	_ = 	snop;
	(pc) =	sbr.rel @p0 .LBB2_1-.Ltmp1, $3  }
0xa8: {  	_ =	sdelay $0x1  }
0xa9: {  	[sflag:s30] =	ssyncset.done $0x0  }
0xaa: {  	[sflag:s30] =	ssyncadd.s32 $0xFFFFC000  }
0xab: {  	_ =	sfence.sel $0x180000  }
0xac: {  	[bflag:$0x0] =	sbarrier.arrive $0xFFFF  }
0xad: {  	_ =	strace $0x90000047  }
0xae: {  	s0 =	stileid.u32;
	[bflag:$0x2] =	sbarrier.arrive $0xFFFF  }
0xaf: {  	p0 =	sne.s32 s0, $0x0;
	s0 =	rddreg [dreg:$0x2]  }
0xb0: {  	s0 =	sadd.s32 @!p0 $0x100000, s0  }
0xb1: {  	[sflag:s0] =	ssyncadd.tile.s32 @!p0 $0x1;
	_ =	shalt  }
.Lfunc_end2:
_tile_overlayer_lowered:
.L_overlay_start_2:
0xb2: {  	(tag) =	ssettag $0x2  }
0xb3: {  	s0 =	rddreg [dreg:$0x0];
	s2 =	stileid.u32  }
0xb4: {  	s1 =	rddreg [dreg:$0x1];
	p0 =	sne.s32 s2, $0x0  }
0xb5: {  	s3 =	rddreg [dreg:$0x2];
	[bflag:$0x3] =	sbarrier.arrive $0xFFFF;
	s2 =	simm.s32 @!p0 $0x1C0B  }
0xb6: {  	[timem:s3], [sflag:s2] =	dma.local @!p0 [hbm:s0], s1  }
0xb7: {  	s0 =	simm.s32 @!p0 $0xB  }
0xb8: {  	_ =	swait.ge @!p0 [sflag:s0], s1  }
0xb9: {  	s1 =	ssub.s32 @!p0 $0x0, s1;
	[sflag:s0] =	ssyncset.done @!p0 $0x0  }
0xba: {  	[sflag:s0] =	ssyncadd.s32 @!p0 s1  }
0xbb: {  	[bflag:$0x3] =	sbarrier.arrive $0xFFFF  }
0xbc: {  	_ =	shalt  }

// kernel: sparse-core-data-format-call.cloned.1.call-start
scs
called_computation_lowered:
.L_overlay_start_0:
0x0: {  	s2 =	sld [smem:$0x3FD9]  }
0x1: {  	s3 =	sld [smem:$0x3FFE];
	_ =	sdelay $0x1  }
0x2: {  	s1 =	srdreg.scid  }
0x3: {  	s0 =	sand.u32 $0x1, s1  }
0x4: {  	s15 =	sshll.u32 s0, $0xA;
	s2 =	sadd.s32 s3, s2  }
0x5: {  	s2 =	sadd.s32 s2, s15  }
0x6: {  	[smem:$0x3FC6] =	sst s2  }
0x7: {  	_ = 	snop  }
0x8: {  	s2 =	sld [smem:$0x3FD0];
	_ =	sdelay $0x2  }
0x9: {  	s16 =	simm.s32 $0xA;
	s4 =	simm.s32 $0x10  }
0xa: {  	[smem:s4], [sflag:s16] =	dma.local [hbm:s2], $0x1  }
0xb: {  	_ =	swait.eq [sflag:s16], $0x1  }
0xc: {  	[sflag:s16] =	ssyncset.done $0x0  }
0xd: {  	[sflag:s16] =	ssyncadd.s32 $0xFFFFFFFF  }
0xe: {  	s17 =	sld [smem:$0x10];
	(tm) =	ssettm $0x1  }
0xf: {  	s18 =	sld [smem:$0x3FFB];
	_ =	sdelay $0x3  }
0x10: {  	_ =	strace s18  }
0x11: {  	s3 =	sld [smem:$0x3FFC];
	_ =	sdelay $0x3  }
0x12: {  	_ =	strace s3  }
0x13: {  	s3 =	sld [smem:$0x3FFD];
	_ =	sdelay $0x3  }
0x14: {  	_ =	strace s3  }
0x15: {  	_ =	strace $0x8FFFFFFF  }
0x16: {  	s19 =	sld [smem:$0x3FDB];
	_ =	sdelay $0x1  }
0x17: {  	s20 =	simm.s32 $_scs_section_size  }
0x18: {  	s5 =	simm.s32 $_size__tile_overlayer_lowered;
	s6 =	simm.s32 $_tile_overlayer_lowered  }
0x19: {  	s23 =	simm.s32 $0x1BFF;
	s22 =	sshll.u32 s6, $0x1;
	s3 =	sadd.s32 s20, s19  }
0x1a: {  	s7 =	simm.s32 $0x0;
	s21 =	sshll.u32 s5, $0x1;
	s5 =	sadd.s32 s22, s3  }
0x1b: {  	[timem:s7], [sflag:s23] =	dma.local [hbm:s5], s21  }
0x1c: {  	_ =	swait.ge [sflag:s23], s21  }
0x1d: {  	s4 =	ssub.s32 $0x0, s21;
	[sflag:s23] =	ssyncset.done $0x0  }
0x1e: {  	[sflag:s23] =	ssyncadd.s32 s4;
	_ =	sdelay $0x1  }
0x1f: {  	s24 =	simm.s32 $0x1B8B  }
0x20: {  	_ =	swait.ge [sflag:s24], $0x1  }
0x21: {  	[sflag:s24] =	ssyncset.done $0x0  }
0x22: {  	s26 =	simm.s32 $0x1B8E;
	s25 =	sld [smem:$0x3FFE];
	[sflag:s24] =	ssyncadd.s32 $0xFFFFFFFF  }
0x23: {  	s27 =	simm.s32 $execute0_lowered;
	[smem:$0x3FD2] =	sst s26  }
0x24: {  	s5 =	sshll.u32 s27, $0x1;
	_ =	strace $0x80000049;
	[dreg:$0x1] =	wrdreg $0xFFFFFFFF  }
0x25: {  	s28 =	simm.s32 $_size_execute0_lowered;
	s3 =	sadd.s32 s3, s5;
	[dreg:$0x0] =	wrdreg $0x0  }
0x26: {  	s5 =	sshll.u32 s28, $0x1;
	[dreg:$0x2] =	wrdreg s3  }
0x27: {  	[dreg:$0x3] =	wrdreg s5  }
0x28: {  	[dreg:$0x4] =	wrdreg $0xC0  }
0x29: {  	_ =	task [dreg:s7], $0x5FFFF  }
0x2a: {  	[dreg:$0x1] =	wrdreg $0xFFFFFFFF  }
0x2b: {  	[dreg:$0x0] =	wrdreg $0x60  }
0x2c: {  	[dreg:$0x2] =	wrdreg s25  }
0x2d: {  	[dreg:$0x3] =	wrdreg s17  }
0x2e: {  	[dreg:$0x4] =	wrdreg $0x9  }
0x2f: {  	_ =	task.clear_ibuf [dreg:s7], $0x5FFFF;
	_ =	strace $0x90000049  }
0x30: {  	s29 =	simm.s32 $0x9;
	_ =	strace $0x8000004B  }
0x31: {  	_ =	swait.ge [sflag:s29], $0x1  }
0x32: {  	[sflag:s29] =	ssyncadd.s32 $0xFFFFFFFF  }
0x33: {  	_ =	strace $0x9000004B  }
0x34: {  	_ =	sfence  }
0x35: {  	s30 =	sld [smem:$0x0];
	_ =	sdelay $0x2  }
0x36: {  	s31 =	sshll.u32 s1, $0xD;
	s1 =	sshrl.u32 s1, $0x2  }
0x37: {  	s3 =	sand.u32 $0x4000, s31;
	s1 =	sadd.s32 s1, s30  }
0x38: {  	s0 =	sor.u32 s3, s0;
	s1 =	sshll.u32 s1, $0x11  }
0x39: {  	s0 =	sor.u32 s1, s0  }
0x3a: {  	s0 =	sadd.s32 $0x8F2B, s0  }
0x3b: {  	[sflag:s0] =	ssyncadd.remote.s32 $0x1  }
0x3c: {  	_ =	sfence.sel $0xFFFF  }
0x3d: {  	[dreg:$0x0] =	wrdreg $0xFFFFFFFF;
	(pc) =	sbr.abs _section_cstart, $3  }
0x3e: {  	[dreg:$0x1] =	wrdreg $0xFFFFFFFF  }
0x3f: {  	_ =	task.clear_ibuf [dreg:s7], $0x2FFFF;
	_ =	strace $0x9FFFFFFF  }
0x40: {  	(tm) =	ssettm $0x7FFFFFFF  }
0x41: {  	_ =	shalt  }
tec
execute0_lowered:
.L_overlay_start_1:
0x0: {  	(tag) =	ssettag $0x1  }
0x1: {  	s0 =	srdreg.scid  }
0x2: {  	s1 =	sshll.u32 s0, $0x4  }
0x3: {  	s5 =	rddreg [dreg:$0x0];
	s0 =	stileid.u32;
	s1 =	sand.u32 $0x10, s1  }
0x4: {  	s3 =	rddreg [dreg:$0x1];
	s31 =	simm.s32 $0x2;
	s4 =	sor.u32 s0, s1  }
0x5: {  	s13 =	simm.s32 $0x0;
	s9 =	simm.s32 $0x400;
	s2 =	sshll.u32 s4, $0x7  }
0x6: {  	s10 =	simm.s32 $0x8000;
	s14 =	simm.s32 $0x0;
	s6 =	ssub.s32 $0x1000, s2  }
0x7: {  	s1 =	rddreg [dreg:$0x2];
	_ =	strace $0x8000004A;
	s7 =	sand.u32 $0xF80, s6  }
0x8: {  	s4 =	sshll.u32 s4, $0xB;
	p0 =	sne.s32 s7, $0x0;
	s7 =	simm.s32 $0x1  }
.Ltmp0:
0x9: {  	s6 =	sshrl.u32 s6, $0xC;
	s7 =	simm.s32 @!p0 $0x0;
	(pc) =	sbr.rel .LBB1_1-.Ltmp0, $4  }
0xa: {  	s8 =	sadd.s32 s4, s5;
	s4 =	simm.s32 $0x1;
	s30 =	sadd.s32 s7, s6  }
0xb: {  	s11 =	simm.s32 $0x0;
	[sflag:s4] =	ssyncpa.u1 $0x0;
	s5 =	smul.u32 $0x64, s30  }
0xc: {  	s12 =	simm.s32 $0x0;
	[sflag:s31] =	ssyncpa.u1 $0x0;
	p0 =	por $0x0, $0x0  }
0xd: {  	s6 =	sadd.s32 $0xC00, s8;
	s7 =	sadd.s32 $0x10C00, s8;
	s8 =	sor.u32 $0x1, s5  }
.LBB1_7:
0xe: {  	s15 =	sadd.s32 $0x2, s11  }
0xf: {  	p2 =	sgt.s32 s15, $0xC7  }
0x10: {  	s15 =	simm.s32 @p2 $0x0;
	p2 =	sne.s32 s12, s8  }
.Ltmp1:
0x11: {  	p1 =	slt.u32 s12, $0x2;
	(pc) =	sbr.rel @!p2 .LBB1_8-.Ltmp1, $4  }
0x12: {  	s13 =	simm.s32 @!p1 $0x2  }
0x13: {  	s16 =	sadd.s32 $0x1, s12;
	s14 =	smov.u32 s11;
	_ =	swait.ge @!p1 [sflag:s13], $0x4000  }
0x14: {  	p0 =	por !p0, !p0;
	s12 =	smov.u32 s16;
	[sflag:s13] =	ssyncset.done @!p1 $0x0  }
0x15: {  	s11 =	smov.u32 s15;
	[sflag:s13] =	ssyncadd.s32 @!p1 $0xFFFFC000;
	s13 =	smov.u32 s2  }
.LBB1_1:
0x16: {  	p1 =	sge.u32 s12, s5  }
0x17: {  	s15 =	sxor.u32 @!p1 $0xFFFFFFFF, s12  }
0x18: {  	s16 =	sshll.u32 @!p1 s11, $0x10;
	s18 =	simm.s32 @!p1 $0x40;
	s15 =	sshll.u32 @!p1 s15, $0xE  }
0x19: {  	s19 =	simm.s32 @!p1 $0x80;
	s17 =	sadd.s32 @!p1 s16, s6;
	s15 =	sand.u32 @!p1 $0x4000, s15  }
0x1a: {  	[tilespmem:s15], [sflag:$0x1] =	stream.strided.gather @!p1 [hbm4b:s17+s18], $0x2000, s19, s18, $0x38;
	[tilespmem:$0x10100] =	vst v63  }
0x1b: {  	s31 =	sadd.s32 $0xFFFFFFFF, s12;
	s16 =	sadd.s32 @!p1 s16, s7;
	s15 =	sor.u32 @!p1 $0x2000, s15  }
0x1c: {  	[tilespmem:s15], [sflag:$0x1] =	stream.strided.gather @!p1 [hbm4b:s16+s18], $0x2000, s19, s18, $0x38;
	[tilespmem:$0x10100] =	vst v63  }
0x1d: {  	p1 =	sge.u32 s31, s5  }
.Ltmp2:
0x1e: {  	_ = 	snop;
	(pc) =	sbr.rel @p1 .LBB1_7-.Ltmp2, $1  }
0x1f: {  	_ =	sdelay $0x3  }
0x20: {  	s15 =	simm.s32 $0x1;
	s17 =	sand.u32 $0x1, s12  }
0x21: {  	_ =	swait.ge [sflag:s4], $0x4000;
	s15 =	simm.s32 @!p0 $0x0;
	s17 =	smul.u32 $0x10200, s17  }
0x22: {  	p2 =	por $0x1, $0x1;
	[sflag:s4] =	ssyncset.done $0x0;
	s16 =	smul.u32 $0x10200, s15  }
0x23: {  	s18 =	sshll.u32 s15, $0x10;
	[sflag:s4] =	ssyncadd.s32 $0xFFFFC000;
	s30 =	sshrl.u32 s17, $0x2  }
0x24: {  	s31 =	sshrl.u32 s18, $0x2;
	s18 =	simm.s32 $0x0;
	s16 =	sshrl.u32 s16, $0x2  }
0x25: {  	s15 =	sor.u32 $0x8000, s30;
	s17 =	sadd.s32 $0x20, s31;
	s16 =	sor.u32 $0x8000, s16  }
.LBB1_3:
0x26: {  	s19 =	sshll.u32 s18, $0xD  }
0x27: {  	s19 =	sand.u32 $0x3FFFE000, s19  }
0x28: {  	s21 =	sadd.s32 s19, s17  }
0x29: {  	s31 =	smul.u32 $0x8100, s18;
	v3 =	vld [tilespmem:s21+$0x10]  }
0x2a: {  	v1 =	vld [tilespmem:s21+$0xFFFFFFF0]  }
0x2b: {  	s18 =	sshra.s32 s31, $0x2;
	v0 =	vld [tilespmem:s21+$0x0]  }
0x2c: {  	s18 =	sadd.s32 s18, s16;
	v2 =	vld [tilespmem:s21+$0xFFFFFFE0]  }
0x2d: {  	s19 =	sadd.s32 $0x0, s18  }
0x2e: {  	p1 =	por p2, p2;
	s20 =	simm.s32 $0x4;
	s21 =	sadd.s32 $0x40, s21;
	[tilespmem:s19+$0x1830 ss:$0x81] =	vst.msk $0xffff, v3  }
.LBB1_4:
0x2f: {  	v3 =	vld [tilespmem:s21+$0x10];
	p2 =	sne.s32 s20, $0x1FC;
	[tilespmem:s19+$0x810 ss:$0x81] =	vst.msk $0xffff, v1;
	s22 =	smov.u32 s20;
	s20 =	sadd.s32 $0x4, s20  }
.Ltmp3:
0x30: {  	v1 =	vld [tilespmem:s21+$0xFFFFFFF0];
	[tilespmem:s19+$0x1020 ss:$0x81] =	vst.msk $0xffff, v0;
	(pc) =	sbr.rel @p2 .LBB1_4-.Ltmp3, $4  }
0x31: {  	v0 =	vld [tilespmem:s21+$0x0];
	[tilespmem:s19+$0x0 ss:$0x81] =	vst.msk $0xffff, v2  }
0x32: {  	s19 =	sshra.s32 s22, $0x2;
	v2 =	vld [tilespmem:s21+$0xFFFFFFE0]  }
0x33: {  	s19 =	sadd.s32 s19, s18  }
0x34: {  	s21 =	sadd.s32 $0x40, s21;
	[tilespmem:s19+$0x1830 ss:$0x81] =	vst.msk $0xffff, v3  }
.Ltmp4:
0x35: {  	(pc) =	sbr.rel @p1 .LBB1_3-.Ltmp4, $4  }
0x36: {  	_ = 	snop  }
0x37: {  	[tilespmem:s19+$0x810 ss:$0x81] =	vst.msk $0xffff, v1  }
0x38: {  	[tilespmem:s19+$0x1020 ss:$0x81] =	vst.msk $0xffff, v0  }
0x39: {  	s18 =	simm.s32 $0x1;
	p2 =	por $0x0, $0x0;
	[tilespmem:s19+$0x0 ss:$0x81] =	vst.msk $0xffff, v2  }
.Ltmp5:
0x3a: {  	(pc) =	sbr.rel .LBB1_7-.Ltmp5, $4  }
0x3b: {  	s14 =	sshll.u32 s14, $0xF  }
0x3c: {  	s14 =	sadd.s32 s3, s14  }
0x3d: {  	s13 =	sadd.s32 s13, s14  }
0x3e: {  	[hbm4b:s13+s9] =	stream.strided.scatter [tilespmem:s15], [sflag:$0x2], $0x4000, s10, s9, $0x20;
	[tilespmem:$0x10100] =	vst v63  }
.LBB1_8:
0x3f: {  	_ =	sfence.sel $0x180000  }
0x40: {  	s2 =	simm.s32 $0x1;
	[bflag:$0x0] =	sbarrier.arrive $0xFFFF  }
0x41: {  	s31 =	simm.s32 $0x2;
	[sflag:s2] =	ssyncpa.u1 $0x1  }
0x42: {  	[sflag:s31] =	ssyncpa.u1 $0x1  }
0x43: {  	p0 =	sne.s32 s0, $0x0;
	_ =	strace $0x9000004A  }
0x44: {  	s0 =	sadd.s32 @!p0 $0x100000, s1;
	[bflag:$0x2] =	sbarrier.arrive $0xFFFF  }
0x45: {  	[sflag:s0] =	ssyncadd.tile.s32 @!p0 $0x1;
	_ =	shalt  }
.Lfunc_end1:
_tile_overlayer_lowered:
.L_overlay_start_2:
0x46: {  	(tag) =	ssettag $0x2  }
0x47: {  	s0 =	rddreg [dreg:$0x0];
	s2 =	stileid.u32  }
0x48: {  	s1 =	rddreg [dreg:$0x1];
	p0 =	sne.s32 s2, $0x0  }
0x49: {  	s3 =	rddreg [dreg:$0x2];
	[bflag:$0x3] =	sbarrier.arrive $0xFFFF;
	s2 =	simm.s32 @!p0 $0x1C01  }
0x4a: {  	[timem:s3], [sflag:s2] =	dma.local @!p0 [hbm:s0], s1  }
0x4b: {  	s0 =	simm.s32 @!p0 $0x1  }
0x4c: {  	_ =	swait.ge @!p0 [sflag:s0], s1  }
0x4d: {  	s1 =	ssub.s32 @!p0 $0x0, s1;
	[sflag:s0] =	ssyncset.done @!p0 $0x0  }
0x4e: {  	[sflag:s0] =	ssyncadd.s32 @!p0 s1  }
0x4f: {  	[bflag:$0x3] =	sbarrier.arrive $0xFFFF  }
0x50: {  	_ =	shalt  }

</sc_bundles>
